<compile_context>
chip_gen: v7x
topology: tpu7x:2x2x1
jax: 0.10.2.dev20260603
libtpu: 0.0.44.dev20260713+nightly
codegen_flags: <defaults>
</compile_context>

<pallas_src>
import jax
import jax.numpy as jnp
from jax import lax
from jax.experimental import pallas as pl
from jax.experimental.pallas import tpu as pltpu
from jax.experimental.pallas import tpu_sc as plsc

N = 10000
D = 128
R = 4
E = 160000
HD = 64
DP = 80
NSUB = 16
NCORE = 2
EPT = E // NSUB
CH = 125
NCH = EPT // CH
NPAD = 10240
SLAB = 128
ZROWS = (NPAD // NSUB) // SLAB


def _sc_body(xp_hbm, src_hbm, dst_hbm, zeros_hbm, out_hbm,
             src_loc, dst_loc, rows, zbuf, agg_sh, sem):
    c = lax.axis_index("c")
    s = lax.axis_index("s")
    pltpu.sync_copy(zeros_hbm, zbuf)
    for r in range(R):
        pltpu.sync_copy(src_hbm.at[r, s], src_loc)
        pltpu.sync_copy(dst_hbm.at[r, s], dst_loc)
        for z in range(ZROWS):
            pltpu.sync_copy(zbuf,
                            agg_sh.at[pl.ds((s * ZROWS + z) * SLAB, SLAB)])
        plsc.subcore_barrier()

        def chunk(j, carry):
            pltpu.async_copy(xp_hbm.at[c].at[src_loc.at[j]], rows, sem).wait()
            pltpu.sync_copy(rows, agg_sh.at[dst_loc.at[j]], add=True)
            return carry

        lax.fori_loop(0, NCH, chunk, 0)
        plsc.subcore_barrier()
        for z in range(ZROWS):
            base = (s * ZROWS + z) * SLAB
            pltpu.sync_copy(agg_sh.at[pl.ds(base, SLAB)],
                            out_hbm.at[c, r, pl.ds(base, SLAB)])


def _sc_aggregate(xp, src, dst, zeros):
    mesh = plsc.VectorSubcoreMesh(core_axis_name="c", subcore_axis_name="s")
    return pl.kernel(
        _sc_body,
        out_type=jax.ShapeDtypeStruct((NCORE, R, NPAD, DP), jnp.float32),
        mesh=mesh,
        scratch_types=[
            pltpu.VMEM((NCH, CH), jnp.int32),
            pltpu.VMEM((NCH, CH), jnp.int32),
            pltpu.VMEM((CH, DP), jnp.float32),
            pltpu.VMEM((SLAB, DP), jnp.float32),
            pltpu.VMEM_SHARED((NPAD, DP), jnp.float32),
            pltpu.SemaphoreType.DMA,
        ],
        compiler_params=pltpu.CompilerParams(use_tc_tiling_on_sc=False),
    )(xp, src, dst, zeros)


BN = 1000


def _tc_body(agg_ref, w_ref, cb_ref, nb_ref, o_ref):
    acc = jnp.zeros((BN, D), jnp.float32)
    for r in range(R):
        deg = jnp.maximum(agg_ref[0, r, :, HD:HD + 1], 1.0)
        a0 = agg_ref[0, r, :, :HD] / deg
        a1 = agg_ref[1, r, :, :HD] / deg
        acc = acc + jnp.dot(a0, w_ref[r, :HD, :],
                            preferred_element_type=jnp.float32)
        acc = acc + jnp.dot(a1, w_ref[r, HD:, :],
                            preferred_element_type=jnp.float32)
        acc = acc + cb_ref[r, :][None, :]
    h = acc * (1.0 / R)
    h = h * jax.nn.sigmoid(h)
    o_ref[...] = h + nb_ref[0, :][None, :]


def _tc_finish(agg, weight, conv_bias, ntype_bias):
    grid = (N // BN,)
    return pl.pallas_call(
        _tc_body,
        grid=grid,
        in_specs=[
            pl.BlockSpec((NCORE, R, BN, DP), lambda i: (0, 0, i, 0)),
            pl.BlockSpec((R, D, D), lambda i: (0, 0, 0)),
            pl.BlockSpec((R, D), lambda i: (0, 0)),
            pl.BlockSpec((1, D), lambda i: (0, 0)),
        ],
        out_specs=pl.BlockSpec((BN, D), lambda i: (i, 0)),
        out_shape=jax.ShapeDtypeStruct((N, D), jnp.float32),
    )(agg, weight, conv_bias, ntype_bias)


def kernel(x, edge_index, weight, conv_bias, ntype_bias):
    ones = jnp.ones((N, DP - HD), x.dtype)
    xp = jnp.stack([jnp.concatenate([x[:, :HD], ones], axis=1),
                    jnp.concatenate([x[:, HD:], ones], axis=1)])
    src = edge_index[:, 0, :].reshape(R, NSUB, NCH, CH)
    dst = edge_index[:, 1, :].reshape(R, NSUB, NCH, CH)
    zeros = jnp.zeros((SLAB, DP), jnp.float32)
    agg = _sc_aggregate(xp, src, dst, zeros)
    return _tc_finish(agg, weight, conv_bias, ntype_bias)

# --- scband reference (transcript-rebuilt; emitter-appended) ---
"""Pipeline reference for scband-rel-graph-conv-layer-41489384079586 (READ-ONLY COPY).

The authoritative reference and input builder live on the scoring server;
editing this copy changes nothing except your own understanding.
"""

import jax, jax.numpy as jnp
import numpy as np

N = 10000   # nodes (single node type)
D = 128     # in_feat == out_feat
R = 4       # relations
E = 160000  # edges per relation


def setup_inputs(seed: int = 0) -> dict:
    key = jax.random.key(seed)
    k1, k2, k3, k4 = jax.random.split(key, 4)
    x = jax.random.normal(k1, (N, D), dtype=jnp.float32)
    # edge_index[r, 0, :] = src node ids, edge_index[r, 1, :] = dst node ids for relation r
    edge_index = jax.random.randint(k2, (R, 2, E), 0, N, dtype=jnp.int32)
    # per-relation projection weights (xavier_normal over (in_feat, out_feat))
    std = (2.0 / (D + D)) ** 0.5
    weight = jax.random.normal(k3, (R, D, D), dtype=jnp.float32) * std
    # dgl GraphConv bias is zero-initialized
    conv_bias = jnp.zeros((R, D), dtype=jnp.float32)
    # bias_dict['node'] ~ normal(0, 1)
    ntype_bias = jax.random.normal(k4, (1, D), dtype=jnp.float32)
    return {"x": x, "edge_index": edge_index, "weight": weight,
            "conv_bias": conv_bias, "ntype_bias": ntype_bias}


def reference(x, edge_index, weight, conv_bias, ntype_bias):
    # HeteroGraphConv over R relations, each dgl GraphConv(norm='right',
    # weight passed via mod_kwargs, bias=True, activation=None), aggregate='mean'.
    n = x.shape[0]
    r_outs = []
    for r in range(R):
        src = edge_index[r, 0]
        dst = edge_index[r, 1]
        msg = jnp.take(x, src, axis=0)                       # gather  [E, D]
        agg = jax.ops.segment_sum(msg, dst, num_segments=n)   # scatter-add [N, D]
        deg = jax.ops.segment_sum(jnp.ones((E,), x.dtype), dst, num_segments=n)
        deg = jnp.maximum(deg, 1.0)                           # norm='right', clamp(min=1)
        h_r = (agg / deg[:, None]) @ weight[r] + conv_bias[r]
        r_outs.append(h_r)
    h = jnp.mean(jnp.stack(r_outs, axis=0), axis=0)           # aggregate='mean'
    # GLU(h.tile(1, 2)) == h * sigmoid(h)
    h = h * jax.nn.sigmoid(h)
    # + bias_dict[ntype]; self_loop=False, activation=None, dropout=0.0 (identity)
    h = h + ntype_bias
    return h

if __name__ == "__main__":
    import jax
    _d = setup_inputs()
    print(jax.jit(kernel)(*tuple(_d.values())))

</pallas_src>

<mosaic_0001>
#map = affine_map<(d0, d1) -> (0, 0, 0)>
#map1 = affine_map<(d0, d1) -> (0, 0, 0, 0)>
#map2 = affine_map<(d0, d1) -> (0, 0)>
module attributes {stable_mosaic.version = 14 : i64} {
  func.func @_sc_body(%arg0: i32, %arg1: i32, %arg2: memref<2x10000x80xf32, #tpu.memory_space<hbm>>, %arg3: memref<4x16x80x125xi32, #tpu.memory_space<hbm>>, %arg4: memref<4x16x80x125xi32, #tpu.memory_space<hbm>>, %arg5: memref<128x80xf32, #tpu.memory_space<hbm>>, %arg6: memref<2x4x10240x80xf32, #tpu.memory_space<hbm>>, %arg7: memref<80x125xi32, #tpu.memory_space<vmem>>, %arg8: memref<80x125xi32, #tpu.memory_space<vmem>>, %arg9: memref<125x80xf32, #tpu.memory_space<vmem>>, %arg10: memref<128x80xf32, #tpu.memory_space<vmem>>, %arg11: memref<10240x80xf32, #tpu.memory_space<vmem_shared>>, %arg12: memref<!tpu.dma_semaphore, #tpu.memory_space<semaphore_mem>>) attributes {dimension_semantics = [#tpu.dimension_semantics<core_parallel>, #tpu.dimension_semantics<subcore_parallel>], iteration_bounds = array<i64: 2, 16>, scalar_prefetch = 0 : i64, scratch_operands = 6 : i64, tpu.core_type = #tpu.core_type<sc_vector_subcore>, window_params = [{transform_indices = #map}, {transform_indices = #map1}, {transform_indices = #map1}, {transform_indices = #map2}, {transform_indices = #map1}]} {
    "tpu.region"() ({
      %run_scoped3A_295 = tpu.sem_alloc : memref<!tpu.dma_semaphore, #tpu.memory_space<semaphore_mem>>
      tpu.enqueue_dma source(%arg5 : memref<128x80xf32, #tpu.memory_space<hbm>>) target(%arg10 : memref<128x80xf32, #tpu.memory_space<vmem>>) target_semaphore(%run_scoped3A_295 : memref<!tpu.dma_semaphore, #tpu.memory_space<semaphore_mem>>)
      tpu.wait_dma2 semaphore(%run_scoped3A_295 : memref<!tpu.dma_semaphore, #tpu.memory_space<semaphore_mem>>) src(%arg5 : memref<128x80xf32, #tpu.memory_space<hbm>>) dst(%arg10 : memref<128x80xf32, #tpu.memory_space<vmem>>)
      tpu.yield
    }) : () -> ()
    %run_scoped3A = arith.constant 0 : i32
    "tpu.region"() ({
      %run_scoped3A_295 = tpu.sem_alloc : memref<!tpu.dma_semaphore, #tpu.memory_space<semaphore_mem>>
      %dma_start3A = arith.constant 0 : i32
      %dma_start3A_296 = arith.constant 0 : i32
      %dma_start3A_297 = tpu.memref_slice %arg3[%run_scoped3A, %arg1, %dma_start3A, %dma_start3A_296] : memref<4x16x80x125xi32, #tpu.memory_space<hbm>> -> memref<1x1x80x125xi32, #tpu.memory_space<hbm>>
      %dma_start3A_298 = tpu.memref_squeeze %dma_start3A_297 : memref<1x1x80x125xi32, #tpu.memory_space<hbm>> -> memref<80x125xi32, #tpu.memory_space<hbm>>
      %dma_start3A_299 = arith.constant 0 : i32
      %dma_start3A_300 = arith.constant 0 : i32
      %dma_start3A_301 = tpu.memref_slice %arg3[%run_scoped3A, %arg1, %dma_start3A_299, %dma_start3A_300] : memref<4x16x80x125xi32, #tpu.memory_space<hbm>> -> memref<1x1x80x125xi32, #tpu.memory_space<hbm>>
      %dma_start3A_302 = tpu.memref_squeeze %dma_start3A_301 : memref<1x1x80x125xi32, #tpu.memory_space<hbm>> -> memref<80x125xi32, #tpu.memory_space<hbm>>
      tpu.enqueue_dma source(%dma_start3A_302 : memref<80x125xi32, #tpu.memory_space<hbm>>) target(%arg7 : memref<80x125xi32, #tpu.memory_space<vmem>>) target_semaphore(%run_scoped3A_295 : memref<!tpu.dma_semaphore, #tpu.memory_space<semaphore_mem>>)
      %dma_wait3A = arith.constant 0 : i32
      %dma_wait3A_303 = arith.constant 0 : i32
      %dma_wait3A_304 = tpu.memref_slice %arg3[%run_scoped3A, %arg1, %dma_wait3A, %dma_wait3A_303] : memref<4x16x80x125xi32, #tpu.memory_space<hbm>> -> memref<1x1x80x125xi32, #tpu.memory_space<hbm>>
      %dma_wait3A_305 = tpu.memref_squeeze %dma_wait3A_304 : memref<1x1x80x125xi32, #tpu.memory_space<hbm>> -> memref<80x125xi32, #tpu.memory_space<hbm>>
      %dma_wait3A_306 = arith.constant 0 : i32
      %dma_wait3A_307 = arith.constant 0 : i32
      %dma_wait3A_308 = tpu.memref_slice %arg3[%run_scoped3A, %arg1, %dma_wait3A_306, %dma_wait3A_307] : memref<4x16x80x125xi32, #tpu.memory_space<hbm>> -> memref<1x1x80x125xi32, #tpu.memory_space<hbm>>
      %dma_wait3A_309 = tpu.memref_squeeze %dma_wait3A_308 : memref<1x1x80x125xi32, #tpu.memory_space<hbm>> -> memref<80x125xi32, #tpu.memory_space<hbm>>
      tpu.wait_dma2 semaphore(%run_scoped3A_295 : memref<!tpu.dma_semaphore, #tpu.memory_space<semaphore_mem>>) src(%dma_wait3A_309 : memref<80x125xi32, #tpu.memory_space<hbm>>) dst(%arg7 : memref<80x125xi32, #tpu.memory_space<vmem>>)
      tpu.yield
    }) : () -> ()
    %run_scoped3A_0 = arith.constant 0 : i32
    "tpu.region"() ({
      %run_scoped3A_295 = tpu.sem_alloc : memref<!tpu.dma_semaphore, #tpu.memory_space<semaphore_mem>>
      %dma_start3A = arith.constant 0 : i32
      %dma_start3A_296 = arith.constant 0 : i32
      %dma_start3A_297 = tpu.memref_slice %arg4[%run_scoped3A_0, %arg1, %dma_start3A, %dma_start3A_296] : memref<4x16x80x125xi32, #tpu.memory_space<hbm>> -> memref<1x1x80x125xi32, #tpu.memory_space<hbm>>
      %dma_start3A_298 = tpu.memref_squeeze %dma_start3A_297 : memref<1x1x80x125xi32, #tpu.memory_space<hbm>> -> memref<80x125xi32, #tpu.memory_space<hbm>>
      %dma_start3A_299 = arith.constant 0 : i32
      %dma_start3A_300 = arith.constant 0 : i32
      %dma_start3A_301 = tpu.memref_slice %arg4[%run_scoped3A_0, %arg1, %dma_start3A_299, %dma_start3A_300] : memref<4x16x80x125xi32, #tpu.memory_space<hbm>> -> memref<1x1x80x125xi32, #tpu.memory_space<hbm>>
      %dma_start3A_302 = tpu.memref_squeeze %dma_start3A_301 : memref<1x1x80x125xi32, #tpu.memory_space<hbm>> -> memref<80x125xi32, #tpu.memory_space<hbm>>
      tpu.enqueue_dma source(%dma_start3A_302 : memref<80x125xi32, #tpu.memory_space<hbm>>) target(%arg8 : memref<80x125xi32, #tpu.memory_space<vmem>>) target_semaphore(%run_scoped3A_295 : memref<!tpu.dma_semaphore, #tpu.memory_space<semaphore_mem>>)
      %dma_wait3A = arith.constant 0 : i32
      %dma_wait3A_303 = arith.constant 0 : i32
      %dma_wait3A_304 = tpu.memref_slice %arg4[%run_scoped3A_0, %arg1, %dma_wait3A, %dma_wait3A_303] : memref<4x16x80x125xi32, #tpu.memory_space<hbm>> -> memref<1x1x80x125xi32, #tpu.memory_space<hbm>>
      %dma_wait3A_305 = tpu.memref_squeeze %dma_wait3A_304 : memref<1x1x80x125xi32, #tpu.memory_space<hbm>> -> memref<80x125xi32, #tpu.memory_space<hbm>>
      %dma_wait3A_306 = arith.constant 0 : i32
      %dma_wait3A_307 = arith.constant 0 : i32
      %dma_wait3A_308 = tpu.memref_slice %arg4[%run_scoped3A_0, %arg1, %dma_wait3A_306, %dma_wait3A_307] : memref<4x16x80x125xi32, #tpu.memory_space<hbm>> -> memref<1x1x80x125xi32, #tpu.memory_space<hbm>>
      %dma_wait3A_309 = tpu.memref_squeeze %dma_wait3A_308 : memref<1x1x80x125xi32, #tpu.memory_space<hbm>> -> memref<80x125xi32, #tpu.memory_space<hbm>>
      tpu.wait_dma2 semaphore(%run_scoped3A_295 : memref<!tpu.dma_semaphore, #tpu.memory_space<semaphore_mem>>) src(%dma_wait3A_309 : memref<80x125xi32, #tpu.memory_space<hbm>>) dst(%arg8 : memref<80x125xi32, #tpu.memory_space<vmem>>)
      tpu.yield
    }) : () -> ()
    %mul3A = arith.constant 5 : i32
    %mul3A_1 = arith.muli %arg1, %mul3A : i32
    %add3A = arith.constant 0 : i32
    %add3A_2 = arith.addi %mul3A_1, %add3A : i32
    %mul3A_3 = arith.constant 128 : i32
    %mul3A_4 = arith.muli %add3A_2, %mul3A_3 : i32
    "tpu.region"() ({
      %run_scoped3A_295 = tpu.sem_alloc : memref<!tpu.dma_semaphore, #tpu.memory_space<semaphore_mem>>
      %dma_start3A = arith.constant 0 : i32
      %dma_start3A_296 = tpu.memref_slice %arg11[%mul3A_4, %dma_start3A] : memref<10240x80xf32, #tpu.memory_space<vmem_shared>> -> memref<128x80xf32, #tpu.memory_space<vmem_shared>>
      %dma_start3A_297 = arith.constant 0 : i32
      %dma_start3A_298 = tpu.memref_slice %arg11[%mul3A_4, %dma_start3A_297] : memref<10240x80xf32, #tpu.memory_space<vmem_shared>> -> memref<128x80xf32, #tpu.memory_space<vmem_shared>>
      tpu.enqueue_dma source(%arg10 : memref<128x80xf32, #tpu.memory_space<vmem>>) target(%dma_start3A_298 : memref<128x80xf32, #tpu.memory_space<vmem_shared>>) target_semaphore(%run_scoped3A_295 : memref<!tpu.dma_semaphore, #tpu.memory_space<semaphore_mem>>)
      %dma_wait3A = arith.constant 0 : i32
      %dma_wait3A_299 = tpu.memref_slice %arg11[%mul3A_4, %dma_wait3A] : memref<10240x80xf32, #tpu.memory_space<vmem_shared>> -> memref<128x80xf32, #tpu.memory_space<vmem_shared>>
      %dma_wait3A_300 = arith.constant 0 : i32
      %dma_wait3A_301 = tpu.memref_slice %arg11[%mul3A_4, %dma_wait3A_300] : memref<10240x80xf32, #tpu.memory_space<vmem_shared>> -> memref<128x80xf32, #tpu.memory_space<vmem_shared>>
      tpu.wait_dma2 semaphore(%run_scoped3A_295 : memref<!tpu.dma_semaphore, #tpu.memory_space<semaphore_mem>>) src(%arg10 : memref<128x80xf32, #tpu.memory_space<vmem>>) dst(%dma_wait3A_301 : memref<128x80xf32, #tpu.memory_space<vmem_shared>>)
      tpu.yield
    }) : () -> ()
    %mul3A_5 = arith.constant 5 : i32
    %mul3A_6 = arith.muli %arg1, %mul3A_5 : i32
    %add3A_7 = arith.constant 1 : i32
    %add3A_8 = arith.addi %mul3A_6, %add3A_7 : i32
    %mul3A_9 = arith.constant 128 : i32
    %mul3A_10 = arith.muli %add3A_8, %mul3A_9 : i32
    "tpu.region"() ({
      %run_scoped3A_295 = tpu.sem_alloc : memref<!tpu.dma_semaphore, #tpu.memory_space<semaphore_mem>>
      %dma_start3A = arith.constant 0 : i32
      %dma_start3A_296 = tpu.memref_slice %arg11[%mul3A_10, %dma_start3A] : memref<10240x80xf32, #tpu.memory_space<vmem_shared>> -> memref<128x80xf32, #tpu.memory_space<vmem_shared>>
      %dma_start3A_297 = arith.constant 0 : i32
      %dma_start3A_298 = tpu.memref_slice %arg11[%mul3A_10, %dma_start3A_297] : memref<10240x80xf32, #tpu.memory_space<vmem_shared>> -> memref<128x80xf32, #tpu.memory_space<vmem_shared>>
      tpu.enqueue_dma source(%arg10 : memref<128x80xf32, #tpu.memory_space<vmem>>) target(%dma_start3A_298 : memref<128x80xf32, #tpu.memory_space<vmem_shared>>) target_semaphore(%run_scoped3A_295 : memref<!tpu.dma_semaphore, #tpu.memory_space<semaphore_mem>>)
      %dma_wait3A = arith.constant 0 : i32
      %dma_wait3A_299 = tpu.memref_slice %arg11[%mul3A_10, %dma_wait3A] : memref<10240x80xf32, #tpu.memory_space<vmem_shared>> -> memref<128x80xf32, #tpu.memory_space<vmem_shared>>
      %dma_wait3A_300 = arith.constant 0 : i32
      %dma_wait3A_301 = tpu.memref_slice %arg11[%mul3A_10, %dma_wait3A_300] : memref<10240x80xf32, #tpu.memory_space<vmem_shared>> -> memref<128x80xf32, #tpu.memory_space<vmem_shared>>
      tpu.wait_dma2 semaphore(%run_scoped3A_295 : memref<!tpu.dma_semaphore, #tpu.memory_space<semaphore_mem>>) src(%arg10 : memref<128x80xf32, #tpu.memory_space<vmem>>) dst(%dma_wait3A_301 : memref<128x80xf32, #tpu.memory_space<vmem_shared>>)
      tpu.yield
    }) : () -> ()
    %mul3A_11 = arith.constant 5 : i32
    %mul3A_12 = arith.muli %arg1, %mul3A_11 : i32
    %add3A_13 = arith.constant 2 : i32
    %add3A_14 = arith.addi %mul3A_12, %add3A_13 : i32
    %mul3A_15 = arith.constant 128 : i32
    %mul3A_16 = arith.muli %add3A_14, %mul3A_15 : i32
    "tpu.region"() ({
      %run_scoped3A_295 = tpu.sem_alloc : memref<!tpu.dma_semaphore, #tpu.memory_space<semaphore_mem>>
      %dma_start3A = arith.constant 0 : i32
      %dma_start3A_296 = tpu.memref_slice %arg11[%mul3A_16, %dma_start3A] : memref<10240x80xf32, #tpu.memory_space<vmem_shared>> -> memref<128x80xf32, #tpu.memory_space<vmem_shared>>
      %dma_start3A_297 = arith.constant 0 : i32
      %dma_start3A_298 = tpu.memref_slice %arg11[%mul3A_16, %dma_start3A_297] : memref<10240x80xf32, #tpu.memory_space<vmem_shared>> -> memref<128x80xf32, #tpu.memory_space<vmem_shared>>
      tpu.enqueue_dma source(%arg10 : memref<128x80xf32, #tpu.memory_space<vmem>>) target(%dma_start3A_298 : memref<128x80xf32, #tpu.memory_space<vmem_shared>>) target_semaphore(%run_scoped3A_295 : memref<!tpu.dma_semaphore, #tpu.memory_space<semaphore_mem>>)
      %dma_wait3A = arith.constant 0 : i32
      %dma_wait3A_299 = tpu.memref_slice %arg11[%mul3A_16, %dma_wait3A] : memref<10240x80xf32, #tpu.memory_space<vmem_shared>> -> memref<128x80xf32, #tpu.memory_space<vmem_shared>>
      %dma_wait3A_300 = arith.constant 0 : i32
      %dma_wait3A_301 = tpu.memref_slice %arg11[%mul3A_16, %dma_wait3A_300] : memref<10240x80xf32, #tpu.memory_space<vmem_shared>> -> memref<128x80xf32, #tpu.memory_space<vmem_shared>>
      tpu.wait_dma2 semaphore(%run_scoped3A_295 : memref<!tpu.dma_semaphore, #tpu.memory_space<semaphore_mem>>) src(%arg10 : memref<128x80xf32, #tpu.memory_space<vmem>>) dst(%dma_wait3A_301 : memref<128x80xf32, #tpu.memory_space<vmem_shared>>)
      tpu.yield
    }) : () -> ()
    %mul3A_17 = arith.constant 5 : i32
    %mul3A_18 = arith.muli %arg1, %mul3A_17 : i32
    %add3A_19 = arith.constant 3 : i32
    %add3A_20 = arith.addi %mul3A_18, %add3A_19 : i32
    %mul3A_21 = arith.constant 128 : i32
    %mul3A_22 = arith.muli %add3A_20, %mul3A_21 : i32
    "tpu.region"() ({
      %run_scoped3A_295 = tpu.sem_alloc : memref<!tpu.dma_semaphore, #tpu.memory_space<semaphore_mem>>
      %dma_start3A = arith.constant 0 : i32
      %dma_start3A_296 = tpu.memref_slice %arg11[%mul3A_22, %dma_start3A] : memref<10240x80xf32, #tpu.memory_space<vmem_shared>> -> memref<128x80xf32, #tpu.memory_space<vmem_shared>>
      %dma_start3A_297 = arith.constant 0 : i32
      %dma_start3A_298 = tpu.memref_slice %arg11[%mul3A_22, %dma_start3A_297] : memref<10240x80xf32, #tpu.memory_space<vmem_shared>> -> memref<128x80xf32, #tpu.memory_space<vmem_shared>>
      tpu.enqueue_dma source(%arg10 : memref<128x80xf32, #tpu.memory_space<vmem>>) target(%dma_start3A_298 : memref<128x80xf32, #tpu.memory_space<vmem_shared>>) target_semaphore(%run_scoped3A_295 : memref<!tpu.dma_semaphore, #tpu.memory_space<semaphore_mem>>)
      %dma_wait3A = arith.constant 0 : i32
      %dma_wait3A_299 = tpu.memref_slice %arg11[%mul3A_22, %dma_wait3A] : memref<10240x80xf32, #tpu.memory_space<vmem_shared>> -> memref<128x80xf32, #tpu.memory_space<vmem_shared>>
      %dma_wait3A_300 = arith.constant 0 : i32
      %dma_wait3A_301 = tpu.memref_slice %arg11[%mul3A_22, %dma_wait3A_300] : memref<10240x80xf32, #tpu.memory_space<vmem_shared>> -> memref<128x80xf32, #tpu.memory_space<vmem_shared>>
      tpu.wait_dma2 semaphore(%run_scoped3A_295 : memref<!tpu.dma_semaphore, #tpu.memory_space<semaphore_mem>>) src(%arg10 : memref<128x80xf32, #tpu.memory_space<vmem>>) dst(%dma_wait3A_301 : memref<128x80xf32, #tpu.memory_space<vmem_shared>>)
      tpu.yield
    }) : () -> ()
    %mul3A_23 = arith.constant 5 : i32
    %mul3A_24 = arith.muli %arg1, %mul3A_23 : i32
    %add3A_25 = arith.constant 4 : i32
    %add3A_26 = arith.addi %mul3A_24, %add3A_25 : i32
    %mul3A_27 = arith.constant 128 : i32
    %mul3A_28 = arith.muli %add3A_26, %mul3A_27 : i32
    "tpu.region"() ({
      %run_scoped3A_295 = tpu.sem_alloc : memref<!tpu.dma_semaphore, #tpu.memory_space<semaphore_mem>>
      %dma_start3A = arith.constant 0 : i32
      %dma_start3A_296 = tpu.memref_slice %arg11[%mul3A_28, %dma_start3A] : memref<10240x80xf32, #tpu.memory_space<vmem_shared>> -> memref<128x80xf32, #tpu.memory_space<vmem_shared>>
      %dma_start3A_297 = arith.constant 0 : i32
      %dma_start3A_298 = tpu.memref_slice %arg11[%mul3A_28, %dma_start3A_297] : memref<10240x80xf32, #tpu.memory_space<vmem_shared>> -> memref<128x80xf32, #tpu.memory_space<vmem_shared>>
      tpu.enqueue_dma source(%arg10 : memref<128x80xf32, #tpu.memory_space<vmem>>) target(%dma_start3A_298 : memref<128x80xf32, #tpu.memory_space<vmem_shared>>) target_semaphore(%run_scoped3A_295 : memref<!tpu.dma_semaphore, #tpu.memory_space<semaphore_mem>>)
      %dma_wait3A = arith.constant 0 : i32
      %dma_wait3A_299 = tpu.memref_slice %arg11[%mul3A_28, %dma_wait3A] : memref<10240x80xf32, #tpu.memory_space<vmem_shared>> -> memref<128x80xf32, #tpu.memory_space<vmem_shared>>
      %dma_wait3A_300 = arith.constant 0 : i32
      %dma_wait3A_301 = tpu.memref_slice %arg11[%mul3A_28, %dma_wait3A_300] : memref<10240x80xf32, #tpu.memory_space<vmem_shared>> -> memref<128x80xf32, #tpu.memory_space<vmem_shared>>
      tpu.wait_dma2 semaphore(%run_scoped3A_295 : memref<!tpu.dma_semaphore, #tpu.memory_space<semaphore_mem>>) src(%arg10 : memref<128x80xf32, #tpu.memory_space<vmem>>) dst(%dma_wait3A_301 : memref<128x80xf32, #tpu.memory_space<vmem_shared>>)
      tpu.yield
    }) : () -> ()
    %barrier3A = arith.constant 0 : index
    tpu.barrier barrier_id(%barrier3A)
    %scan3A = arith.constant 0 : i32
    %scan3A_29 = arith.constant 0 : i32
    %scan3A_30 = arith.constant 80 : i32
    %scan3A_31 = arith.addi %scan3A_29, %scan3A_30 : i32
    %scan3A_32 = arith.constant 1 : i32
    scf.for %scan3A_295 = %scan3A_29 to %scan3A_31 step %scan3A_32  : i32 {
      %dma_start3A = arith.constant 0 : i32
      %dma_start3A_296 = tpu.memref_slice %arg7[%scan3A_295, %dma_start3A] : memref<80x125xi32, #tpu.memory_space<vmem>> -> memref<1x125xi32, #tpu.memory_space<vmem>>
      %dma_start3A_297 = tpu.memref_squeeze %dma_start3A_296 : memref<1x125xi32, #tpu.memory_space<vmem>> -> memref<125xi32, #tpu.memory_space<vmem>>
      %dma_start3A_298 = arith.constant 0 : i32
      %dma_start3A_299 = arith.constant 0 : i32
      %dma_start3A_300 = tpu.memref_slice %arg2[%arg0, %dma_start3A_298, %dma_start3A_299] : memref<2x10000x80xf32, #tpu.memory_space<hbm>> -> memref<1x10000x80xf32, #tpu.memory_space<hbm>>
      %dma_start3A_301 = tpu.memref_squeeze %dma_start3A_300 : memref<1x10000x80xf32, #tpu.memory_space<hbm>> -> memref<10000x80xf32, #tpu.memory_space<hbm>>
      %dma_start3A_302 = arith.constant 0 : i32
      %dma_start3A_303 = arith.constant 0 : i32
      %dma_start3A_304 = tpu.memref_slice %dma_start3A_301[%dma_start3A_302, %dma_start3A_303] : memref<10000x80xf32, #tpu.memory_space<hbm>> -> memref<10000x80xf32, #tpu.memory_space<hbm>>
      tpu.enqueue_indirect_dma source(%dma_start3A_304 : memref<10000x80xf32, #tpu.memory_space<hbm>>) target(%arg9 : memref<125x80xf32, #tpu.memory_space<vmem>>) offsets(%dma_start3A_297 : memref<125xi32, #tpu.memory_space<vmem>>) semaphore(%arg12 : memref<!tpu.dma_semaphore, #tpu.memory_space<semaphore_mem>>)
      %dma_wait3A = arith.constant 0 : i32
      %dma_wait3A_305 = tpu.memref_slice %arg7[%scan3A_295, %dma_wait3A] : memref<80x125xi32, #tpu.memory_space<vmem>> -> memref<1x125xi32, #tpu.memory_space<vmem>>
      %dma_wait3A_306 = tpu.memref_squeeze %dma_wait3A_305 : memref<1x125xi32, #tpu.memory_space<vmem>> -> memref<125xi32, #tpu.memory_space<vmem>>
      %dma_wait3A_307 = arith.constant 0 : i32
      %dma_wait3A_308 = arith.constant 0 : i32
      %dma_wait3A_309 = tpu.memref_slice %arg2[%arg0, %dma_wait3A_307, %dma_wait3A_308] : memref<2x10000x80xf32, #tpu.memory_space<hbm>> -> memref<1x10000x80xf32, #tpu.memory_space<hbm>>
      %dma_wait3A_310 = tpu.memref_squeeze %dma_wait3A_309 : memref<1x10000x80xf32, #tpu.memory_space<hbm>> -> memref<10000x80xf32, #tpu.memory_space<hbm>>
      %dma_wait3A_311 = arith.constant 0 : i32
      %dma_wait3A_312 = arith.constant 0 : i32
      %dma_wait3A_313 = tpu.memref_slice %dma_wait3A_310[%dma_wait3A_311, %dma_wait3A_312] : memref<10000x80xf32, #tpu.memory_space<hbm>> -> memref<10000x80xf32, #tpu.memory_space<hbm>>
      tpu.wait_indirect_dma semaphore(%arg12 : memref<!tpu.dma_semaphore, #tpu.memory_space<semaphore_mem>>) src(%dma_wait3A_313 : memref<10000x80xf32, #tpu.memory_space<hbm>>) dst(%arg9 : memref<125x80xf32, #tpu.memory_space<vmem>>)
      "tpu.region"() ({
        %run_scoped3A_314 = tpu.sem_alloc : memref<!tpu.dma_semaphore, #tpu.memory_space<semaphore_mem>>
        %dma_start3A_315 = arith.constant 0 : i32
        %dma_start3A_316 = tpu.memref_slice %arg8[%scan3A_295, %dma_start3A_315] : memref<80x125xi32, #tpu.memory_space<vmem>> -> memref<1x125xi32, #tpu.memory_space<vmem>>
        %dma_start3A_317 = tpu.memref_squeeze %dma_start3A_316 : memref<1x125xi32, #tpu.memory_space<vmem>> -> memref<125xi32, #tpu.memory_space<vmem>>
        %dma_start3A_318 = arith.constant 0 : i32
        %dma_start3A_319 = arith.constant 0 : i32
        %dma_start3A_320 = tpu.memref_slice %arg11[%dma_start3A_318, %dma_start3A_319] : memref<10240x80xf32, #tpu.memory_space<vmem_shared>> -> memref<10240x80xf32, #tpu.memory_space<vmem_shared>>
        tpu.enqueue_indirect_dma source(%arg9 : memref<125x80xf32, #tpu.memory_space<vmem>>) target(%dma_start3A_320 : memref<10240x80xf32, #tpu.memory_space<vmem_shared>>) offsets(%dma_start3A_317 : memref<125xi32, #tpu.memory_space<vmem>>) semaphore(%run_scoped3A_314 : memref<!tpu.dma_semaphore, #tpu.memory_space<semaphore_mem>>) {add = true}
        %dma_wait3A_321 = arith.constant 0 : i32
        %dma_wait3A_322 = tpu.memref_slice %arg8[%scan3A_295, %dma_wait3A_321] : memref<80x125xi32, #tpu.memory_space<vmem>> -> memref<1x125xi32, #tpu.memory_space<vmem>>
        %dma_wait3A_323 = tpu.memref_squeeze %dma_wait3A_322 : memref<1x125xi32, #tpu.memory_space<vmem>> -> memref<125xi32, #tpu.memory_space<vmem>>
        %dma_wait3A_324 = arith.constant 0 : i32
        %dma_wait3A_325 = arith.constant 0 : i32
        %dma_wait3A_326 = tpu.memref_slice %arg11[%dma_wait3A_324, %dma_wait3A_325] : memref<10240x80xf32, #tpu.memory_space<vmem_shared>> -> memref<10240x80xf32, #tpu.memory_space<vmem_shared>>
        tpu.wait_indirect_dma semaphore(%run_scoped3A_314 : memref<!tpu.dma_semaphore, #tpu.memory_space<semaphore_mem>>) src(%arg9 : memref<125x80xf32, #tpu.memory_space<vmem>>) dst(%dma_wait3A_326 : memref<10240x80xf32, #tpu.memory_space<vmem_shared>>)
        tpu.yield
      }) : () -> ()
    }
    %scan3A_33 = arith.constant 80 : i32
    %barrier3A_34 = arith.constant 0 : index
    tpu.barrier barrier_id(%barrier3A_34)
    %mul3A_35 = arith.constant 5 : i32
    %mul3A_36 = arith.muli %arg1, %mul3A_35 : i32
    %add3A_37 = arith.constant 0 : i32
    %add3A_38 = arith.addi %mul3A_36, %add3A_37 : i32
    %mul3A_39 = arith.constant 128 : i32
    %mul3A_40 = arith.muli %add3A_38, %mul3A_39 : i32
    %run_scoped3A_41 = arith.constant 0 : i32
    "tpu.region"() ({
      %run_scoped3A_295 = tpu.sem_alloc : memref<!tpu.dma_semaphore, #tpu.memory_space<semaphore_mem>>
      %dma_start3A = arith.constant 0 : i32
      %dma_start3A_296 = tpu.memref_slice %arg6[%arg0, %run_scoped3A_41, %mul3A_40, %dma_start3A] : memref<2x4x10240x80xf32, #tpu.memory_space<hbm>> -> memref<1x1x128x80xf32, #tpu.memory_space<hbm>>
      %dma_start3A_297 = tpu.memref_squeeze %dma_start3A_296 : memref<1x1x128x80xf32, #tpu.memory_space<hbm>> -> memref<128x80xf32, #tpu.memory_space<hbm>>
      %dma_start3A_298 = arith.constant 0 : i32
      %dma_start3A_299 = tpu.memref_slice %arg11[%mul3A_40, %dma_start3A_298] : memref<10240x80xf32, #tpu.memory_space<vmem_shared>> -> memref<128x80xf32, #tpu.memory_space<vmem_shared>>
      tpu.enqueue_dma source(%dma_start3A_299 : memref<128x80xf32, #tpu.memory_space<vmem_shared>>) target(%dma_start3A_297 : memref<128x80xf32, #tpu.memory_space<hbm>>) target_semaphore(%run_scoped3A_295 : memref<!tpu.dma_semaphore, #tpu.memory_space<semaphore_mem>>)
      %dma_wait3A = arith.constant 0 : i32
      %dma_wait3A_300 = tpu.memref_slice %arg6[%arg0, %run_scoped3A_41, %mul3A_40, %dma_wait3A] : memref<2x4x10240x80xf32, #tpu.memory_space<hbm>> -> memref<1x1x128x80xf32, #tpu.memory_space<hbm>>
      %dma_wait3A_301 = tpu.memref_squeeze %dma_wait3A_300 : memref<1x1x128x80xf32, #tpu.memory_space<hbm>> -> memref<128x80xf32, #tpu.memory_space<hbm>>
      %dma_wait3A_302 = arith.constant 0 : i32
      %dma_wait3A_303 = tpu.memref_slice %arg11[%mul3A_40, %dma_wait3A_302] : memref<10240x80xf32, #tpu.memory_space<vmem_shared>> -> memref<128x80xf32, #tpu.memory_space<vmem_shared>>
      tpu.wait_dma2 semaphore(%run_scoped3A_295 : memref<!tpu.dma_semaphore, #tpu.memory_space<semaphore_mem>>) src(%dma_wait3A_303 : memref<128x80xf32, #tpu.memory_space<vmem_shared>>) dst(%dma_wait3A_301 : memref<128x80xf32, #tpu.memory_space<hbm>>)
      tpu.yield
    }) : () -> ()
    %mul3A_42 = arith.constant 5 : i32
    %mul3A_43 = arith.muli %arg1, %mul3A_42 : i32
    %add3A_44 = arith.constant 1 : i32
    %add3A_45 = arith.addi %mul3A_43, %add3A_44 : i32
    %mul3A_46 = arith.constant 128 : i32
    %mul3A_47 = arith.muli %add3A_45, %mul3A_46 : i32
    %run_scoped3A_48 = arith.constant 0 : i32
    "tpu.region"() ({
      %run_scoped3A_295 = tpu.sem_alloc : memref<!tpu.dma_semaphore, #tpu.memory_space<semaphore_mem>>
      %dma_start3A = arith.constant 0 : i32
      %dma_start3A_296 = tpu.memref_slice %arg6[%arg0, %run_scoped3A_48, %mul3A_47, %dma_start3A] : memref<2x4x10240x80xf32, #tpu.memory_space<hbm>> -> memref<1x1x128x80xf32, #tpu.memory_space<hbm>>
      %dma_start3A_297 = tpu.memref_squeeze %dma_start3A_296 : memref<1x1x128x80xf32, #tpu.memory_space<hbm>> -> memref<128x80xf32, #tpu.memory_space<hbm>>
      %dma_start3A_298 = arith.constant 0 : i32
      %dma_start3A_299 = tpu.memref_slice %arg11[%mul3A_47, %dma_start3A_298] : memref<10240x80xf32, #tpu.memory_space<vmem_shared>> -> memref<128x80xf32, #tpu.memory_space<vmem_shared>>
      tpu.enqueue_dma source(%dma_start3A_299 : memref<128x80xf32, #tpu.memory_space<vmem_shared>>) target(%dma_start3A_297 : memref<128x80xf32, #tpu.memory_space<hbm>>) target_semaphore(%run_scoped3A_295 : memref<!tpu.dma_semaphore, #tpu.memory_space<semaphore_mem>>)
      %dma_wait3A = arith.constant 0 : i32
      %dma_wait3A_300 = tpu.memref_slice %arg6[%arg0, %run_scoped3A_48, %mul3A_47, %dma_wait3A] : memref<2x4x10240x80xf32, #tpu.memory_space<hbm>> -> memref<1x1x128x80xf32, #tpu.memory_space<hbm>>
      %dma_wait3A_301 = tpu.memref_squeeze %dma_wait3A_300 : memref<1x1x128x80xf32, #tpu.memory_space<hbm>> -> memref<128x80xf32, #tpu.memory_space<hbm>>
      %dma_wait3A_302 = arith.constant 0 : i32
      %dma_wait3A_303 = tpu.memref_slice %arg11[%mul3A_47, %dma_wait3A_302] : memref<10240x80xf32, #tpu.memory_space<vmem_shared>> -> memref<128x80xf32, #tpu.memory_space<vmem_shared>>
      tpu.wait_dma2 semaphore(%run_scoped3A_295 : memref<!tpu.dma_semaphore, #tpu.memory_space<semaphore_mem>>) src(%dma_wait3A_303 : memref<128x80xf32, #tpu.memory_space<vmem_shared>>) dst(%dma_wait3A_301 : memref<128x80xf32, #tpu.memory_space<hbm>>)
      tpu.yield
    }) : () -> ()
    %mul3A_49 = arith.constant 5 : i32
    %mul3A_50 = arith.muli %arg1, %mul3A_49 : i32
    %add3A_51 = arith.constant 2 : i32
    %add3A_52 = arith.addi %mul3A_50, %add3A_51 : i32
    %mul3A_53 = arith.constant 128 : i32
    %mul3A_54 = arith.muli %add3A_52, %mul3A_53 : i32
    %run_scoped3A_55 = arith.constant 0 : i32
    "tpu.region"() ({
      %run_scoped3A_295 = tpu.sem_alloc : memref<!tpu.dma_semaphore, #tpu.memory_space<semaphore_mem>>
      %dma_start3A = arith.constant 0 : i32
      %dma_start3A_296 = tpu.memref_slice %arg6[%arg0, %run_scoped3A_55, %mul3A_54, %dma_start3A] : memref<2x4x10240x80xf32, #tpu.memory_space<hbm>> -> memref<1x1x128x80xf32, #tpu.memory_space<hbm>>
      %dma_start3A_297 = tpu.memref_squeeze %dma_start3A_296 : memref<1x1x128x80xf32, #tpu.memory_space<hbm>> -> memref<128x80xf32, #tpu.memory_space<hbm>>
      %dma_start3A_298 = arith.constant 0 : i32
      %dma_start3A_299 = tpu.memref_slice %arg11[%mul3A_54, %dma_start3A_298] : memref<10240x80xf32, #tpu.memory_space<vmem_shared>> -> memref<128x80xf32, #tpu.memory_space<vmem_shared>>
      tpu.enqueue_dma source(%dma_start3A_299 : memref<128x80xf32, #tpu.memory_space<vmem_shared>>) target(%dma_start3A_297 : memref<128x80xf32, #tpu.memory_space<hbm>>) target_semaphore(%run_scoped3A_295 : memref<!tpu.dma_semaphore, #tpu.memory_space<semaphore_mem>>)
      %dma_wait3A = arith.constant 0 : i32
      %dma_wait3A_300 = tpu.memref_slice %arg6[%arg0, %run_scoped3A_55, %mul3A_54, %dma_wait3A] : memref<2x4x10240x80xf32, #tpu.memory_space<hbm>> -> memref<1x1x128x80xf32, #tpu.memory_space<hbm>>
      %dma_wait3A_301 = tpu.memref_squeeze %dma_wait3A_300 : memref<1x1x128x80xf32, #tpu.memory_space<hbm>> -> memref<128x80xf32, #tpu.memory_space<hbm>>
      %dma_wait3A_302 = arith.constant 0 : i32
      %dma_wait3A_303 = tpu.memref_slice %arg11[%mul3A_54, %dma_wait3A_302] : memref<10240x80xf32, #tpu.memory_space<vmem_shared>> -> memref<128x80xf32, #tpu.memory_space<vmem_shared>>
      tpu.wait_dma2 semaphore(%run_scoped3A_295 : memref<!tpu.dma_semaphore, #tpu.memory_space<semaphore_mem>>) src(%dma_wait3A_303 : memref<128x80xf32, #tpu.memory_space<vmem_shared>>) dst(%dma_wait3A_301 : memref<128x80xf32, #tpu.memory_space<hbm>>)
      tpu.yield
    }) : () -> ()
    %mul3A_56 = arith.constant 5 : i32
    %mul3A_57 = arith.muli %arg1, %mul3A_56 : i32
    %add3A_58 = arith.constant 3 : i32
    %add3A_59 = arith.addi %mul3A_57, %add3A_58 : i32
    %mul3A_60 = arith.constant 128 : i32
    %mul3A_61 = arith.muli %add3A_59, %mul3A_60 : i32
    %run_scoped3A_62 = arith.constant 0 : i32
    "tpu.region"() ({
      %run_scoped3A_295 = tpu.sem_alloc : memref<!tpu.dma_semaphore, #tpu.memory_space<semaphore_mem>>
      %dma_start3A = arith.constant 0 : i32
      %dma_start3A_296 = tpu.memref_slice %arg6[%arg0, %run_scoped3A_62, %mul3A_61, %dma_start3A] : memref<2x4x10240x80xf32, #tpu.memory_space<hbm>> -> memref<1x1x128x80xf32, #tpu.memory_space<hbm>>
      %dma_start3A_297 = tpu.memref_squeeze %dma_start3A_296 : memref<1x1x128x80xf32, #tpu.memory_space<hbm>> -> memref<128x80xf32, #tpu.memory_space<hbm>>
      %dma_start3A_298 = arith.constant 0 : i32
      %dma_start3A_299 = tpu.memref_slice %arg11[%mul3A_61, %dma_start3A_298] : memref<10240x80xf32, #tpu.memory_space<vmem_shared>> -> memref<128x80xf32, #tpu.memory_space<vmem_shared>>
      tpu.enqueue_dma source(%dma_start3A_299 : memref<128x80xf32, #tpu.memory_space<vmem_shared>>) target(%dma_start3A_297 : memref<128x80xf32, #tpu.memory_space<hbm>>) target_semaphore(%run_scoped3A_295 : memref<!tpu.dma_semaphore, #tpu.memory_space<semaphore_mem>>)
      %dma_wait3A = arith.constant 0 : i32
      %dma_wait3A_300 = tpu.memref_slice %arg6[%arg0, %run_scoped3A_62, %mul3A_61, %dma_wait3A] : memref<2x4x10240x80xf32, #tpu.memory_space<hbm>> -> memref<1x1x128x80xf32, #tpu.memory_space<hbm>>
      %dma_wait3A_301 = tpu.memref_squeeze %dma_wait3A_300 : memref<1x1x128x80xf32, #tpu.memory_space<hbm>> -> memref<128x80xf32, #tpu.memory_space<hbm>>
      %dma_wait3A_302 = arith.constant 0 : i32
      %dma_wait3A_303 = tpu.memref_slice %arg11[%mul3A_61, %dma_wait3A_302] : memref<10240x80xf32, #tpu.memory_space<vmem_shared>> -> memref<128x80xf32, #tpu.memory_space<vmem_shared>>
      tpu.wait_dma2 semaphore(%run_scoped3A_295 : memref<!tpu.dma_semaphore, #tpu.memory_space<semaphore_mem>>) src(%dma_wait3A_303 : memref<128x80xf32, #tpu.memory_space<vmem_shared>>) dst(%dma_wait3A_301 : memref<128x80xf32, #tpu.memory_space<hbm>>)
      tpu.yield
    }) : () -> ()
    %mul3A_63 = arith.constant 5 : i32
    %mul3A_64 = arith.muli %arg1, %mul3A_63 : i32
    %add3A_65 = arith.constant 4 : i32
    %add3A_66 = arith.addi %mul3A_64, %add3A_65 : i32
    %mul3A_67 = arith.constant 128 : i32
    %mul3A_68 = arith.muli %add3A_66, %mul3A_67 : i32
    %run_scoped3A_69 = arith.constant 0 : i32
    "tpu.region"() ({
      %run_scoped3A_295 = tpu.sem_alloc : memref<!tpu.dma_semaphore, #tpu.memory_space<semaphore_mem>>
      %dma_start3A = arith.constant 0 : i32
      %dma_start3A_296 = tpu.memref_slice %arg6[%arg0, %run_scoped3A_69, %mul3A_68, %dma_start3A] : memref<2x4x10240x80xf32, #tpu.memory_space<hbm>> -> memref<1x1x128x80xf32, #tpu.memory_space<hbm>>
      %dma_start3A_297 = tpu.memref_squeeze %dma_start3A_296 : memref<1x1x128x80xf32, #tpu.memory_space<hbm>> -> memref<128x80xf32, #tpu.memory_space<hbm>>
      %dma_start3A_298 = arith.constant 0 : i32
      %dma_start3A_299 = tpu.memref_slice %arg11[%mul3A_68, %dma_start3A_298] : memref<10240x80xf32, #tpu.memory_space<vmem_shared>> -> memref<128x80xf32, #tpu.memory_space<vmem_shared>>
      tpu.enqueue_dma source(%dma_start3A_299 : memref<128x80xf32, #tpu.memory_space<vmem_shared>>) target(%dma_start3A_297 : memref<128x80xf32, #tpu.memory_space<hbm>>) target_semaphore(%run_scoped3A_295 : memref<!tpu.dma_semaphore, #tpu.memory_space<semaphore_mem>>)
      %dma_wait3A = arith.constant 0 : i32
      %dma_wait3A_300 = tpu.memref_slice %arg6[%arg0, %run_scoped3A_69, %mul3A_68, %dma_wait3A] : memref<2x4x10240x80xf32, #tpu.memory_space<hbm>> -> memref<1x1x128x80xf32, #tpu.memory_space<hbm>>
      %dma_wait3A_301 = tpu.memref_squeeze %dma_wait3A_300 : memref<1x1x128x80xf32, #tpu.memory_space<hbm>> -> memref<128x80xf32, #tpu.memory_space<hbm>>
      %dma_wait3A_302 = arith.constant 0 : i32
      %dma_wait3A_303 = tpu.memref_slice %arg11[%mul3A_68, %dma_wait3A_302] : memref<10240x80xf32, #tpu.memory_space<vmem_shared>> -> memref<128x80xf32, #tpu.memory_space<vmem_shared>>
      tpu.wait_dma2 semaphore(%run_scoped3A_295 : memref<!tpu.dma_semaphore, #tpu.memory_space<semaphore_mem>>) src(%dma_wait3A_303 : memref<128x80xf32, #tpu.memory_space<vmem_shared>>) dst(%dma_wait3A_301 : memref<128x80xf32, #tpu.memory_space<hbm>>)
      tpu.yield
    }) : () -> ()
    %run_scoped3A_70 = arith.constant 1 : i32
    "tpu.region"() ({
      %run_scoped3A_295 = tpu.sem_alloc : memref<!tpu.dma_semaphore, #tpu.memory_space<semaphore_mem>>
      %dma_start3A = arith.constant 0 : i32
      %dma_start3A_296 = arith.constant 0 : i32
      %dma_start3A_297 = tpu.memref_slice %arg3[%run_scoped3A_70, %arg1, %dma_start3A, %dma_start3A_296] : memref<4x16x80x125xi32, #tpu.memory_space<hbm>> -> memref<1x1x80x125xi32, #tpu.memory_space<hbm>>
      %dma_start3A_298 = tpu.memref_squeeze %dma_start3A_297 : memref<1x1x80x125xi32, #tpu.memory_space<hbm>> -> memref<80x125xi32, #tpu.memory_space<hbm>>
      %dma_start3A_299 = arith.constant 0 : i32
      %dma_start3A_300 = arith.constant 0 : i32
      %dma_start3A_301 = tpu.memref_slice %arg3[%run_scoped3A_70, %arg1, %dma_start3A_299, %dma_start3A_300] : memref<4x16x80x125xi32, #tpu.memory_space<hbm>> -> memref<1x1x80x125xi32, #tpu.memory_space<hbm>>
      %dma_start3A_302 = tpu.memref_squeeze %dma_start3A_301 : memref<1x1x80x125xi32, #tpu.memory_space<hbm>> -> memref<80x125xi32, #tpu.memory_space<hbm>>
      tpu.enqueue_dma source(%dma_start3A_302 : memref<80x125xi32, #tpu.memory_space<hbm>>) target(%arg7 : memref<80x125xi32, #tpu.memory_space<vmem>>) target_semaphore(%run_scoped3A_295 : memref<!tpu.dma_semaphore, #tpu.memory_space<semaphore_mem>>)
      %dma_wait3A = arith.constant 0 : i32
      %dma_wait3A_303 = arith.constant 0 : i32
      %dma_wait3A_304 = tpu.memref_slice %arg3[%run_scoped3A_70, %arg1, %dma_wait3A, %dma_wait3A_303] : memref<4x16x80x125xi32, #tpu.memory_space<hbm>> -> memref<1x1x80x125xi32, #tpu.memory_space<hbm>>
      %dma_wait3A_305 = tpu.memref_squeeze %dma_wait3A_304 : memref<1x1x80x125xi32, #tpu.memory_space<hbm>> -> memref<80x125xi32, #tpu.memory_space<hbm>>
      %dma_wait3A_306 = arith.constant 0 : i32
      %dma_wait3A_307 = arith.constant 0 : i32
      %dma_wait3A_308 = tpu.memref_slice %arg3[%run_scoped3A_70, %arg1, %dma_wait3A_306, %dma_wait3A_307] : memref<4x16x80x125xi32, #tpu.memory_space<hbm>> -> memref<1x1x80x125xi32, #tpu.memory_space<hbm>>
      %dma_wait3A_309 = tpu.memref_squeeze %dma_wait3A_308 : memref<1x1x80x125xi32, #tpu.memory_space<hbm>> -> memref<80x125xi32, #tpu.memory_space<hbm>>
      tpu.wait_dma2 semaphore(%run_scoped3A_295 : memref<!tpu.dma_semaphore, #tpu.memory_space<semaphore_mem>>) src(%dma_wait3A_309 : memref<80x125xi32, #tpu.memory_space<hbm>>) dst(%arg7 : memref<80x125xi32, #tpu.memory_space<vmem>>)
      tpu.yield
    }) : () -> ()
    %run_scoped3A_71 = arith.constant 1 : i32
    "tpu.region"() ({
      %run_scoped3A_295 = tpu.sem_alloc : memref<!tpu.dma_semaphore, #tpu.memory_space<semaphore_mem>>
      %dma_start3A = arith.constant 0 : i32
      %dma_start3A_296 = arith.constant 0 : i32
      %dma_start3A_297 = tpu.memref_slice %arg4[%run_scoped3A_71, %arg1, %dma_start3A, %dma_start3A_296] : memref<4x16x80x125xi32, #tpu.memory_space<hbm>> -> memref<1x1x80x125xi32, #tpu.memory_space<hbm>>
      %dma_start3A_298 = tpu.memref_squeeze %dma_start3A_297 : memref<1x1x80x125xi32, #tpu.memory_space<hbm>> -> memref<80x125xi32, #tpu.memory_space<hbm>>
      %dma_start3A_299 = arith.constant 0 : i32
      %dma_start3A_300 = arith.constant 0 : i32
      %dma_start3A_301 = tpu.memref_slice %arg4[%run_scoped3A_71, %arg1, %dma_start3A_299, %dma_start3A_300] : memref<4x16x80x125xi32, #tpu.memory_space<hbm>> -> memref<1x1x80x125xi32, #tpu.memory_space<hbm>>
      %dma_start3A_302 = tpu.memref_squeeze %dma_start3A_301 : memref<1x1x80x125xi32, #tpu.memory_space<hbm>> -> memref<80x125xi32, #tpu.memory_space<hbm>>
      tpu.enqueue_dma source(%dma_start3A_302 : memref<80x125xi32, #tpu.memory_space<hbm>>) target(%arg8 : memref<80x125xi32, #tpu.memory_space<vmem>>) target_semaphore(%run_scoped3A_295 : memref<!tpu.dma_semaphore, #tpu.memory_space<semaphore_mem>>)
      %dma_wait3A = arith.constant 0 : i32
      %dma_wait3A_303 = arith.constant 0 : i32
      %dma_wait3A_304 = tpu.memref_slice %arg4[%run_scoped3A_71, %arg1, %dma_wait3A, %dma_wait3A_303] : memref<4x16x80x125xi32, #tpu.memory_space<hbm>> -> memref<1x1x80x125xi32, #tpu.memory_space<hbm>>
      %dma_wait3A_305 = tpu.memref_squeeze %dma_wait3A_304 : memref<1x1x80x125xi32, #tpu.memory_space<hbm>> -> memref<80x125xi32, #tpu.memory_space<hbm>>
      %dma_wait3A_306 = arith.constant 0 : i32
      %dma_wait3A_307 = arith.constant 0 : i32
      %dma_wait3A_308 = tpu.memref_slice %arg4[%run_scoped3A_71, %arg1, %dma_wait3A_306, %dma_wait3A_307] : memref<4x16x80x125xi32, #tpu.memory_space<hbm>> -> memref<1x1x80x125xi32, #tpu.memory_space<hbm>>
      %dma_wait3A_309 = tpu.memref_squeeze %dma_wait3A_308 : memref<1x1x80x125xi32, #tpu.memory_space<hbm>> -> memref<80x125xi32, #tpu.memory_space<hbm>>
      tpu.wait_dma2 semaphore(%run_scoped3A_295 : memref<!tpu.dma_semaphore, #tpu.memory_space<semaphore_mem>>) src(%dma_wait3A_309 : memref<80x125xi32, #tpu.memory_space<hbm>>) dst(%arg8 : memref<80x125xi32, #tpu.memory_space<vmem>>)
      tpu.yield
    }) : () -> ()
    %mul3A_72 = arith.constant 5 : i32
    %mul3A_73 = arith.muli %arg1, %mul3A_72 : i32
    %add3A_74 = arith.constant 0 : i32
    %add3A_75 = arith.addi %mul3A_73, %add3A_74 : i32
    %mul3A_76 = arith.constant 128 : i32
    %mul3A_77 = arith.muli %add3A_75, %mul3A_76 : i32
    "tpu.region"() ({
      %run_scoped3A_295 = tpu.sem_alloc : memref<!tpu.dma_semaphore, #tpu.memory_space<semaphore_mem>>
      %dma_start3A = arith.constant 0 : i32
      %dma_start3A_296 = tpu.memref_slice %arg11[%mul3A_77, %dma_start3A] : memref<10240x80xf32, #tpu.memory_space<vmem_shared>> -> memref<128x80xf32, #tpu.memory_space<vmem_shared>>
      %dma_start3A_297 = arith.constant 0 : i32
      %dma_start3A_298 = tpu.memref_slice %arg11[%mul3A_77, %dma_start3A_297] : memref<10240x80xf32, #tpu.memory_space<vmem_shared>> -> memref<128x80xf32, #tpu.memory_space<vmem_shared>>
      tpu.enqueue_dma source(%arg10 : memref<128x80xf32, #tpu.memory_space<vmem>>) target(%dma_start3A_298 : memref<128x80xf32, #tpu.memory_space<vmem_shared>>) target_semaphore(%run_scoped3A_295 : memref<!tpu.dma_semaphore, #tpu.memory_space<semaphore_mem>>)
      %dma_wait3A = arith.constant 0 : i32
      %dma_wait3A_299 = tpu.memref_slice %arg11[%mul3A_77, %dma_wait3A] : memref<10240x80xf32, #tpu.memory_space<vmem_shared>> -> memref<128x80xf32, #tpu.memory_space<vmem_shared>>
      %dma_wait3A_300 = arith.constant 0 : i32
      %dma_wait3A_301 = tpu.memref_slice %arg11[%mul3A_77, %dma_wait3A_300] : memref<10240x80xf32, #tpu.memory_space<vmem_shared>> -> memref<128x80xf32, #tpu.memory_space<vmem_shared>>
      tpu.wait_dma2 semaphore(%run_scoped3A_295 : memref<!tpu.dma_semaphore, #tpu.memory_space<semaphore_mem>>) src(%arg10 : memref<128x80xf32, #tpu.memory_space<vmem>>) dst(%dma_wait3A_301 : memref<128x80xf32, #tpu.memory_space<vmem_shared>>)
      tpu.yield
    }) : () -> ()
    %mul3A_78 = arith.constant 5 : i32
    %mul3A_79 = arith.muli %arg1, %mul3A_78 : i32
    %add3A_80 = arith.constant 1 : i32
    %add3A_81 = arith.addi %mul3A_79, %add3A_80 : i32
    %mul3A_82 = arith.constant 128 : i32
    %mul3A_83 = arith.muli %add3A_81, %mul3A_82 : i32
    "tpu.region"() ({
      %run_scoped3A_295 = tpu.sem_alloc : memref<!tpu.dma_semaphore, #tpu.memory_space<semaphore_mem>>
      %dma_start3A = arith.constant 0 : i32
      %dma_start3A_296 = tpu.memref_slice %arg11[%mul3A_83, %dma_start3A] : memref<10240x80xf32, #tpu.memory_space<vmem_shared>> -> memref<128x80xf32, #tpu.memory_space<vmem_shared>>
      %dma_start3A_297 = arith.constant 0 : i32
      %dma_start3A_298 = tpu.memref_slice %arg11[%mul3A_83, %dma_start3A_297] : memref<10240x80xf32, #tpu.memory_space<vmem_shared>> -> memref<128x80xf32, #tpu.memory_space<vmem_shared>>
      tpu.enqueue_dma source(%arg10 : memref<128x80xf32, #tpu.memory_space<vmem>>) target(%dma_start3A_298 : memref<128x80xf32, #tpu.memory_space<vmem_shared>>) target_semaphore(%run_scoped3A_295 : memref<!tpu.dma_semaphore, #tpu.memory_space<semaphore_mem>>)
      %dma_wait3A = arith.constant 0 : i32
      %dma_wait3A_299 = tpu.memref_slice %arg11[%mul3A_83, %dma_wait3A] : memref<10240x80xf32, #tpu.memory_space<vmem_shared>> -> memref<128x80xf32, #tpu.memory_space<vmem_shared>>
      %dma_wait3A_300 = arith.constant 0 : i32
      %dma_wait3A_301 = tpu.memref_slice %arg11[%mul3A_83, %dma_wait3A_300] : memref<10240x80xf32, #tpu.memory_space<vmem_shared>> -> memref<128x80xf32, #tpu.memory_space<vmem_shared>>
      tpu.wait_dma2 semaphore(%run_scoped3A_295 : memref<!tpu.dma_semaphore, #tpu.memory_space<semaphore_mem>>) src(%arg10 : memref<128x80xf32, #tpu.memory_space<vmem>>) dst(%dma_wait3A_301 : memref<128x80xf32, #tpu.memory_space<vmem_shared>>)
      tpu.yield
    }) : () -> ()
    %mul3A_84 = arith.constant 5 : i32
    %mul3A_85 = arith.muli %arg1, %mul3A_84 : i32
    %add3A_86 = arith.constant 2 : i32
    %add3A_87 = arith.addi %mul3A_85, %add3A_86 : i32
    %mul3A_88 = arith.constant 128 : i32
    %mul3A_89 = arith.muli %add3A_87, %mul3A_88 : i32
    "tpu.region"() ({
      %run_scoped3A_295 = tpu.sem_alloc : memref<!tpu.dma_semaphore, #tpu.memory_space<semaphore_mem>>
      %dma_start3A = arith.constant 0 : i32
      %dma_start3A_296 = tpu.memref_slice %arg11[%mul3A_89, %dma_start3A] : memref<10240x80xf32, #tpu.memory_space<vmem_shared>> -> memref<128x80xf32, #tpu.memory_space<vmem_shared>>
      %dma_start3A_297 = arith.constant 0 : i32
      %dma_start3A_298 = tpu.memref_slice %arg11[%mul3A_89, %dma_start3A_297] : memref<10240x80xf32, #tpu.memory_space<vmem_shared>> -> memref<128x80xf32, #tpu.memory_space<vmem_shared>>
      tpu.enqueue_dma source(%arg10 : memref<128x80xf32, #tpu.memory_space<vmem>>) target(%dma_start3A_298 : memref<128x80xf32, #tpu.memory_space<vmem_shared>>) target_semaphore(%run_scoped3A_295 : memref<!tpu.dma_semaphore, #tpu.memory_space<semaphore_mem>>)
      %dma_wait3A = arith.constant 0 : i32
      %dma_wait3A_299 = tpu.memref_slice %arg11[%mul3A_89, %dma_wait3A] : memref<10240x80xf32, #tpu.memory_space<vmem_shared>> -> memref<128x80xf32, #tpu.memory_space<vmem_shared>>
      %dma_wait3A_300 = arith.constant 0 : i32
      %dma_wait3A_301 = tpu.memref_slice %arg11[%mul3A_89, %dma_wait3A_300] : memref<10240x80xf32, #tpu.memory_space<vmem_shared>> -> memref<128x80xf32, #tpu.memory_space<vmem_shared>>
      tpu.wait_dma2 semaphore(%run_scoped3A_295 : memref<!tpu.dma_semaphore, #tpu.memory_space<semaphore_mem>>) src(%arg10 : memref<128x80xf32, #tpu.memory_space<vmem>>) dst(%dma_wait3A_301 : memref<128x80xf32, #tpu.memory_space<vmem_shared>>)
      tpu.yield
    }) : () -> ()
    %mul3A_90 = arith.constant 5 : i32
    %mul3A_91 = arith.muli %arg1, %mul3A_90 : i32
    %add3A_92 = arith.constant 3 : i32
    %add3A_93 = arith.addi %mul3A_91, %add3A_92 : i32
    %mul3A_94 = arith.constant 128 : i32
    %mul3A_95 = arith.muli %add3A_93, %mul3A_94 : i32
    "tpu.region"() ({
      %run_scoped3A_295 = tpu.sem_alloc : memref<!tpu.dma_semaphore, #tpu.memory_space<semaphore_mem>>
      %dma_start3A = arith.constant 0 : i32
      %dma_start3A_296 = tpu.memref_slice %arg11[%mul3A_95, %dma_start3A] : memref<10240x80xf32, #tpu.memory_space<vmem_shared>> -> memref<128x80xf32, #tpu.memory_space<vmem_shared>>
      %dma_start3A_297 = arith.constant 0 : i32
      %dma_start3A_298 = tpu.memref_slice %arg11[%mul3A_95, %dma_start3A_297] : memref<10240x80xf32, #tpu.memory_space<vmem_shared>> -> memref<128x80xf32, #tpu.memory_space<vmem_shared>>
      tpu.enqueue_dma source(%arg10 : memref<128x80xf32, #tpu.memory_space<vmem>>) target(%dma_start3A_298 : memref<128x80xf32, #tpu.memory_space<vmem_shared>>) target_semaphore(%run_scoped3A_295 : memref<!tpu.dma_semaphore, #tpu.memory_space<semaphore_mem>>)
      %dma_wait3A = arith.constant 0 : i32
      %dma_wait3A_299 = tpu.memref_slice %arg11[%mul3A_95, %dma_wait3A] : memref<10240x80xf32, #tpu.memory_space<vmem_shared>> -> memref<128x80xf32, #tpu.memory_space<vmem_shared>>
      %dma_wait3A_300 = arith.constant 0 : i32
      %dma_wait3A_301 = tpu.memref_slice %arg11[%mul3A_95, %dma_wait3A_300] : memref<10240x80xf32, #tpu.memory_space<vmem_shared>> -> memref<128x80xf32, #tpu.memory_space<vmem_shared>>
      tpu.wait_dma2 semaphore(%run_scoped3A_295 : memref<!tpu.dma_semaphore, #tpu.memory_space<semaphore_mem>>) src(%arg10 : memref<128x80xf32, #tpu.memory_space<vmem>>) dst(%dma_wait3A_301 : memref<128x80xf32, #tpu.memory_space<vmem_shared>>)
      tpu.yield
    }) : () -> ()
    %mul3A_96 = arith.constant 5 : i32
    %mul3A_97 = arith.muli %arg1, %mul3A_96 : i32
    %add3A_98 = arith.constant 4 : i32
    %add3A_99 = arith.addi %mul3A_97, %add3A_98 : i32
    %mul3A_100 = arith.constant 128 : i32
    %mul3A_101 = arith.muli %add3A_99, %mul3A_100 : i32
    "tpu.region"() ({
      %run_scoped3A_295 = tpu.sem_alloc : memref<!tpu.dma_semaphore, #tpu.memory_space<semaphore_mem>>
      %dma_start3A = arith.constant 0 : i32
      %dma_start3A_296 = tpu.memref_slice %arg11[%mul3A_101, %dma_start3A] : memref<10240x80xf32, #tpu.memory_space<vmem_shared>> -> memref<128x80xf32, #tpu.memory_space<vmem_shared>>
      %dma_start3A_297 = arith.constant 0 : i32
      %dma_start3A_298 = tpu.memref_slice %arg11[%mul3A_101, %dma_start3A_297] : memref<10240x80xf32, #tpu.memory_space<vmem_shared>> -> memref<128x80xf32, #tpu.memory_space<vmem_shared>>
      tpu.enqueue_dma source(%arg10 : memref<128x80xf32, #tpu.memory_space<vmem>>) target(%dma_start3A_298 : memref<128x80xf32, #tpu.memory_space<vmem_shared>>) target_semaphore(%run_scoped3A_295 : memref<!tpu.dma_semaphore, #tpu.memory_space<semaphore_mem>>)
      %dma_wait3A = arith.constant 0 : i32
      %dma_wait3A_299 = tpu.memref_slice %arg11[%mul3A_101, %dma_wait3A] : memref<10240x80xf32, #tpu.memory_space<vmem_shared>> -> memref<128x80xf32, #tpu.memory_space<vmem_shared>>
      %dma_wait3A_300 = arith.constant 0 : i32
      %dma_wait3A_301 = tpu.memref_slice %arg11[%mul3A_101, %dma_wait3A_300] : memref<10240x80xf32, #tpu.memory_space<vmem_shared>> -> memref<128x80xf32, #tpu.memory_space<vmem_shared>>
      tpu.wait_dma2 semaphore(%run_scoped3A_295 : memref<!tpu.dma_semaphore, #tpu.memory_space<semaphore_mem>>) src(%arg10 : memref<128x80xf32, #tpu.memory_space<vmem>>) dst(%dma_wait3A_301 : memref<128x80xf32, #tpu.memory_space<vmem_shared>>)
      tpu.yield
    }) : () -> ()
    %barrier3A_102 = arith.constant 0 : index
    tpu.barrier barrier_id(%barrier3A_102)
    %scan3A_103 = arith.constant 0 : i32
    %scan3A_104 = arith.constant 0 : i32
    %scan3A_105 = arith.constant 80 : i32
    %scan3A_106 = arith.addi %scan3A_104, %scan3A_105 : i32
    %scan3A_107 = arith.constant 1 : i32
    scf.for %scan3A_295 = %scan3A_104 to %scan3A_106 step %scan3A_107  : i32 {
      %dma_start3A = arith.constant 0 : i32
      %dma_start3A_296 = tpu.memref_slice %arg7[%scan3A_295, %dma_start3A] : memref<80x125xi32, #tpu.memory_space<vmem>> -> memref<1x125xi32, #tpu.memory_space<vmem>>
      %dma_start3A_297 = tpu.memref_squeeze %dma_start3A_296 : memref<1x125xi32, #tpu.memory_space<vmem>> -> memref<125xi32, #tpu.memory_space<vmem>>
      %dma_start3A_298 = arith.constant 0 : i32
      %dma_start3A_299 = arith.constant 0 : i32
      %dma_start3A_300 = tpu.memref_slice %arg2[%arg0, %dma_start3A_298, %dma_start3A_299] : memref<2x10000x80xf32, #tpu.memory_space<hbm>> -> memref<1x10000x80xf32, #tpu.memory_space<hbm>>
      %dma_start3A_301 = tpu.memref_squeeze %dma_start3A_300 : memref<1x10000x80xf32, #tpu.memory_space<hbm>> -> memref<10000x80xf32, #tpu.memory_space<hbm>>
      %dma_start3A_302 = arith.constant 0 : i32
      %dma_start3A_303 = arith.constant 0 : i32
      %dma_start3A_304 = tpu.memref_slice %dma_start3A_301[%dma_start3A_302, %dma_start3A_303] : memref<10000x80xf32, #tpu.memory_space<hbm>> -> memref<10000x80xf32, #tpu.memory_space<hbm>>
      tpu.enqueue_indirect_dma source(%dma_start3A_304 : memref<10000x80xf32, #tpu.memory_space<hbm>>) target(%arg9 : memref<125x80xf32, #tpu.memory_space<vmem>>) offsets(%dma_start3A_297 : memref<125xi32, #tpu.memory_space<vmem>>) semaphore(%arg12 : memref<!tpu.dma_semaphore, #tpu.memory_space<semaphore_mem>>)
      %dma_wait3A = arith.constant 0 : i32
      %dma_wait3A_305 = tpu.memref_slice %arg7[%scan3A_295, %dma_wait3A] : memref<80x125xi32, #tpu.memory_space<vmem>> -> memref<1x125xi32, #tpu.memory_space<vmem>>
      %dma_wait3A_306 = tpu.memref_squeeze %dma_wait3A_305 : memref<1x125xi32, #tpu.memory_space<vmem>> -> memref<125xi32, #tpu.memory_space<vmem>>
      %dma_wait3A_307 = arith.constant 0 : i32
      %dma_wait3A_308 = arith.constant 0 : i32
      %dma_wait3A_309 = tpu.memref_slice %arg2[%arg0, %dma_wait3A_307, %dma_wait3A_308] : memref<2x10000x80xf32, #tpu.memory_space<hbm>> -> memref<1x10000x80xf32, #tpu.memory_space<hbm>>
      %dma_wait3A_310 = tpu.memref_squeeze %dma_wait3A_309 : memref<1x10000x80xf32, #tpu.memory_space<hbm>> -> memref<10000x80xf32, #tpu.memory_space<hbm>>
      %dma_wait3A_311 = arith.constant 0 : i32
      %dma_wait3A_312 = arith.constant 0 : i32
      %dma_wait3A_313 = tpu.memref_slice %dma_wait3A_310[%dma_wait3A_311, %dma_wait3A_312] : memref<10000x80xf32, #tpu.memory_space<hbm>> -> memref<10000x80xf32, #tpu.memory_space<hbm>>
      tpu.wait_indirect_dma semaphore(%arg12 : memref<!tpu.dma_semaphore, #tpu.memory_space<semaphore_mem>>) src(%dma_wait3A_313 : memref<10000x80xf32, #tpu.memory_space<hbm>>) dst(%arg9 : memref<125x80xf32, #tpu.memory_space<vmem>>)
      "tpu.region"() ({
        %run_scoped3A_314 = tpu.sem_alloc : memref<!tpu.dma_semaphore, #tpu.memory_space<semaphore_mem>>
        %dma_start3A_315 = arith.constant 0 : i32
        %dma_start3A_316 = tpu.memref_slice %arg8[%scan3A_295, %dma_start3A_315] : memref<80x125xi32, #tpu.memory_space<vmem>> -> memref<1x125xi32, #tpu.memory_space<vmem>>
        %dma_start3A_317 = tpu.memref_squeeze %dma_start3A_316 : memref<1x125xi32, #tpu.memory_space<vmem>> -> memref<125xi32, #tpu.memory_space<vmem>>
        %dma_start3A_318 = arith.constant 0 : i32
        %dma_start3A_319 = arith.constant 0 : i32
        %dma_start3A_320 = tpu.memref_slice %arg11[%dma_start3A_318, %dma_start3A_319] : memref<10240x80xf32, #tpu.memory_space<vmem_shared>> -> memref<10240x80xf32, #tpu.memory_space<vmem_shared>>
        tpu.enqueue_indirect_dma source(%arg9 : memref<125x80xf32, #tpu.memory_space<vmem>>) target(%dma_start3A_320 : memref<10240x80xf32, #tpu.memory_space<vmem_shared>>) offsets(%dma_start3A_317 : memref<125xi32, #tpu.memory_space<vmem>>) semaphore(%run_scoped3A_314 : memref<!tpu.dma_semaphore, #tpu.memory_space<semaphore_mem>>) {add = true}
        %dma_wait3A_321 = arith.constant 0 : i32
        %dma_wait3A_322 = tpu.memref_slice %arg8[%scan3A_295, %dma_wait3A_321] : memref<80x125xi32, #tpu.memory_space<vmem>> -> memref<1x125xi32, #tpu.memory_space<vmem>>
        %dma_wait3A_323 = tpu.memref_squeeze %dma_wait3A_322 : memref<1x125xi32, #tpu.memory_space<vmem>> -> memref<125xi32, #tpu.memory_space<vmem>>
        %dma_wait3A_324 = arith.constant 0 : i32
        %dma_wait3A_325 = arith.constant 0 : i32
        %dma_wait3A_326 = tpu.memref_slice %arg11[%dma_wait3A_324, %dma_wait3A_325] : memref<10240x80xf32, #tpu.memory_space<vmem_shared>> -> memref<10240x80xf32, #tpu.memory_space<vmem_shared>>
        tpu.wait_indirect_dma semaphore(%run_scoped3A_314 : memref<!tpu.dma_semaphore, #tpu.memory_space<semaphore_mem>>) src(%arg9 : memref<125x80xf32, #tpu.memory_space<vmem>>) dst(%dma_wait3A_326 : memref<10240x80xf32, #tpu.memory_space<vmem_shared>>)
        tpu.yield
      }) : () -> ()
    }
    %scan3A_108 = arith.constant 80 : i32
    %barrier3A_109 = arith.constant 0 : index
    tpu.barrier barrier_id(%barrier3A_109)
    %mul3A_110 = arith.constant 5 : i32
    %mul3A_111 = arith.muli %arg1, %mul3A_110 : i32
    %add3A_112 = arith.constant 0 : i32
    %add3A_113 = arith.addi %mul3A_111, %add3A_112 : i32
    %mul3A_114 = arith.constant 128 : i32
    %mul3A_115 = arith.muli %add3A_113, %mul3A_114 : i32
    %run_scoped3A_116 = arith.constant 1 : i32
    "tpu.region"() ({
      %run_scoped3A_295 = tpu.sem_alloc : memref<!tpu.dma_semaphore, #tpu.memory_space<semaphore_mem>>
      %dma_start3A = arith.constant 0 : i32
      %dma_start3A_296 = tpu.memref_slice %arg6[%arg0, %run_scoped3A_116, %mul3A_115, %dma_start3A] : memref<2x4x10240x80xf32, #tpu.memory_space<hbm>> -> memref<1x1x128x80xf32, #tpu.memory_space<hbm>>
      %dma_start3A_297 = tpu.memref_squeeze %dma_start3A_296 : memref<1x1x128x80xf32, #tpu.memory_space<hbm>> -> memref<128x80xf32, #tpu.memory_space<hbm>>
      %dma_start3A_298 = arith.constant 0 : i32
      %dma_start3A_299 = tpu.memref_slice %arg11[%mul3A_115, %dma_start3A_298] : memref<10240x80xf32, #tpu.memory_space<vmem_shared>> -> memref<128x80xf32, #tpu.memory_space<vmem_shared>>
      tpu.enqueue_dma source(%dma_start3A_299 : memref<128x80xf32, #tpu.memory_space<vmem_shared>>) target(%dma_start3A_297 : memref<128x80xf32, #tpu.memory_space<hbm>>) target_semaphore(%run_scoped3A_295 : memref<!tpu.dma_semaphore, #tpu.memory_space<semaphore_mem>>)
      %dma_wait3A = arith.constant 0 : i32
      %dma_wait3A_300 = tpu.memref_slice %arg6[%arg0, %run_scoped3A_116, %mul3A_115, %dma_wait3A] : memref<2x4x10240x80xf32, #tpu.memory_space<hbm>> -> memref<1x1x128x80xf32, #tpu.memory_space<hbm>>
      %dma_wait3A_301 = tpu.memref_squeeze %dma_wait3A_300 : memref<1x1x128x80xf32, #tpu.memory_space<hbm>> -> memref<128x80xf32, #tpu.memory_space<hbm>>
      %dma_wait3A_302 = arith.constant 0 : i32
      %dma_wait3A_303 = tpu.memref_slice %arg11[%mul3A_115, %dma_wait3A_302] : memref<10240x80xf32, #tpu.memory_space<vmem_shared>> -> memref<128x80xf32, #tpu.memory_space<vmem_shared>>
      tpu.wait_dma2 semaphore(%run_scoped3A_295 : memref<!tpu.dma_semaphore, #tpu.memory_space<semaphore_mem>>) src(%dma_wait3A_303 : memref<128x80xf32, #tpu.memory_space<vmem_shared>>) dst(%dma_wait3A_301 : memref<128x80xf32, #tpu.memory_space<hbm>>)
      tpu.yield
    }) : () -> ()
    %mul3A_117 = arith.constant 5 : i32
    %mul3A_118 = arith.muli %arg1, %mul3A_117 : i32
    %add3A_119 = arith.constant 1 : i32
    %add3A_120 = arith.addi %mul3A_118, %add3A_119 : i32
    %mul3A_121 = arith.constant 128 : i32
    %mul3A_122 = arith.muli %add3A_120, %mul3A_121 : i32
    %run_scoped3A_123 = arith.constant 1 : i32
    "tpu.region"() ({
      %run_scoped3A_295 = tpu.sem_alloc : memref<!tpu.dma_semaphore, #tpu.memory_space<semaphore_mem>>
      %dma_start3A = arith.constant 0 : i32
      %dma_start3A_296 = tpu.memref_slice %arg6[%arg0, %run_scoped3A_123, %mul3A_122, %dma_start3A] : memref<2x4x10240x80xf32, #tpu.memory_space<hbm>> -> memref<1x1x128x80xf32, #tpu.memory_space<hbm>>
      %dma_start3A_297 = tpu.memref_squeeze %dma_start3A_296 : memref<1x1x128x80xf32, #tpu.memory_space<hbm>> -> memref<128x80xf32, #tpu.memory_space<hbm>>
      %dma_start3A_298 = arith.constant 0 : i32
      %dma_start3A_299 = tpu.memref_slice %arg11[%mul3A_122, %dma_start3A_298] : memref<10240x80xf32, #tpu.memory_space<vmem_shared>> -> memref<128x80xf32, #tpu.memory_space<vmem_shared>>
      tpu.enqueue_dma source(%dma_start3A_299 : memref<128x80xf32, #tpu.memory_space<vmem_shared>>) target(%dma_start3A_297 : memref<128x80xf32, #tpu.memory_space<hbm>>) target_semaphore(%run_scoped3A_295 : memref<!tpu.dma_semaphore, #tpu.memory_space<semaphore_mem>>)
      %dma_wait3A = arith.constant 0 : i32
      %dma_wait3A_300 = tpu.memref_slice %arg6[%arg0, %run_scoped3A_123, %mul3A_122, %dma_wait3A] : memref<2x4x10240x80xf32, #tpu.memory_space<hbm>> -> memref<1x1x128x80xf32, #tpu.memory_space<hbm>>
      %dma_wait3A_301 = tpu.memref_squeeze %dma_wait3A_300 : memref<1x1x128x80xf32, #tpu.memory_space<hbm>> -> memref<128x80xf32, #tpu.memory_space<hbm>>
      %dma_wait3A_302 = arith.constant 0 : i32
      %dma_wait3A_303 = tpu.memref_slice %arg11[%mul3A_122, %dma_wait3A_302] : memref<10240x80xf32, #tpu.memory_space<vmem_shared>> -> memref<128x80xf32, #tpu.memory_space<vmem_shared>>
      tpu.wait_dma2 semaphore(%run_scoped3A_295 : memref<!tpu.dma_semaphore, #tpu.memory_space<semaphore_mem>>) src(%dma_wait3A_303 : memref<128x80xf32, #tpu.memory_space<vmem_shared>>) dst(%dma_wait3A_301 : memref<128x80xf32, #tpu.memory_space<hbm>>)
      tpu.yield
    }) : () -> ()
    %mul3A_124 = arith.constant 5 : i32
    %mul3A_125 = arith.muli %arg1, %mul3A_124 : i32
    %add3A_126 = arith.constant 2 : i32
    %add3A_127 = arith.addi %mul3A_125, %add3A_126 : i32
    %mul3A_128 = arith.constant 128 : i32
    %mul3A_129 = arith.muli %add3A_127, %mul3A_128 : i32
    %run_scoped3A_130 = arith.constant 1 : i32
    "tpu.region"() ({
      %run_scoped3A_295 = tpu.sem_alloc : memref<!tpu.dma_semaphore, #tpu.memory_space<semaphore_mem>>
      %dma_start3A = arith.constant 0 : i32
      %dma_start3A_296 = tpu.memref_slice %arg6[%arg0, %run_scoped3A_130, %mul3A_129, %dma_start3A] : memref<2x4x10240x80xf32, #tpu.memory_space<hbm>> -> memref<1x1x128x80xf32, #tpu.memory_space<hbm>>
      %dma_start3A_297 = tpu.memref_squeeze %dma_start3A_296 : memref<1x1x128x80xf32, #tpu.memory_space<hbm>> -> memref<128x80xf32, #tpu.memory_space<hbm>>
      %dma_start3A_298 = arith.constant 0 : i32
      %dma_start3A_299 = tpu.memref_slice %arg11[%mul3A_129, %dma_start3A_298] : memref<10240x80xf32, #tpu.memory_space<vmem_shared>> -> memref<128x80xf32, #tpu.memory_space<vmem_shared>>
      tpu.enqueue_dma source(%dma_start3A_299 : memref<128x80xf32, #tpu.memory_space<vmem_shared>>) target(%dma_start3A_297 : memref<128x80xf32, #tpu.memory_space<hbm>>) target_semaphore(%run_scoped3A_295 : memref<!tpu.dma_semaphore, #tpu.memory_space<semaphore_mem>>)
      %dma_wait3A = arith.constant 0 : i32
      %dma_wait3A_300 = tpu.memref_slice %arg6[%arg0, %run_scoped3A_130, %mul3A_129, %dma_wait3A] : memref<2x4x10240x80xf32, #tpu.memory_space<hbm>> -> memref<1x1x128x80xf32, #tpu.memory_space<hbm>>
      %dma_wait3A_301 = tpu.memref_squeeze %dma_wait3A_300 : memref<1x1x128x80xf32, #tpu.memory_space<hbm>> -> memref<128x80xf32, #tpu.memory_space<hbm>>
      %dma_wait3A_302 = arith.constant 0 : i32
      %dma_wait3A_303 = tpu.memref_slice %arg11[%mul3A_129, %dma_wait3A_302] : memref<10240x80xf32, #tpu.memory_space<vmem_shared>> -> memref<128x80xf32, #tpu.memory_space<vmem_shared>>
      tpu.wait_dma2 semaphore(%run_scoped3A_295 : memref<!tpu.dma_semaphore, #tpu.memory_space<semaphore_mem>>) src(%dma_wait3A_303 : memref<128x80xf32, #tpu.memory_space<vmem_shared>>) dst(%dma_wait3A_301 : memref<128x80xf32, #tpu.memory_space<hbm>>)
      tpu.yield
    }) : () -> ()
    %mul3A_131 = arith.constant 5 : i32
    %mul3A_132 = arith.muli %arg1, %mul3A_131 : i32
    %add3A_133 = arith.constant 3 : i32
    %add3A_134 = arith.addi %mul3A_132, %add3A_133 : i32
    %mul3A_135 = arith.constant 128 : i32
    %mul3A_136 = arith.muli %add3A_134, %mul3A_135 : i32
    %run_scoped3A_137 = arith.constant 1 : i32
    "tpu.region"() ({
      %run_scoped3A_295 = tpu.sem_alloc : memref<!tpu.dma_semaphore, #tpu.memory_space<semaphore_mem>>
      %dma_start3A = arith.constant 0 : i32
      %dma_start3A_296 = tpu.memref_slice %arg6[%arg0, %run_scoped3A_137, %mul3A_136, %dma_start3A] : memref<2x4x10240x80xf32, #tpu.memory_space<hbm>> -> memref<1x1x128x80xf32, #tpu.memory_space<hbm>>
      %dma_start3A_297 = tpu.memref_squeeze %dma_start3A_296 : memref<1x1x128x80xf32, #tpu.memory_space<hbm>> -> memref<128x80xf32, #tpu.memory_space<hbm>>
      %dma_start3A_298 = arith.constant 0 : i32
      %dma_start3A_299 = tpu.memref_slice %arg11[%mul3A_136, %dma_start3A_298] : memref<10240x80xf32, #tpu.memory_space<vmem_shared>> -> memref<128x80xf32, #tpu.memory_space<vmem_shared>>
      tpu.enqueue_dma source(%dma_start3A_299 : memref<128x80xf32, #tpu.memory_space<vmem_shared>>) target(%dma_start3A_297 : memref<128x80xf32, #tpu.memory_space<hbm>>) target_semaphore(%run_scoped3A_295 : memref<!tpu.dma_semaphore, #tpu.memory_space<semaphore_mem>>)
      %dma_wait3A = arith.constant 0 : i32
      %dma_wait3A_300 = tpu.memref_slice %arg6[%arg0, %run_scoped3A_137, %mul3A_136, %dma_wait3A] : memref<2x4x10240x80xf32, #tpu.memory_space<hbm>> -> memref<1x1x128x80xf32, #tpu.memory_space<hbm>>
      %dma_wait3A_301 = tpu.memref_squeeze %dma_wait3A_300 : memref<1x1x128x80xf32, #tpu.memory_space<hbm>> -> memref<128x80xf32, #tpu.memory_space<hbm>>
      %dma_wait3A_302 = arith.constant 0 : i32
      %dma_wait3A_303 = tpu.memref_slice %arg11[%mul3A_136, %dma_wait3A_302] : memref<10240x80xf32, #tpu.memory_space<vmem_shared>> -> memref<128x80xf32, #tpu.memory_space<vmem_shared>>
      tpu.wait_dma2 semaphore(%run_scoped3A_295 : memref<!tpu.dma_semaphore, #tpu.memory_space<semaphore_mem>>) src(%dma_wait3A_303 : memref<128x80xf32, #tpu.memory_space<vmem_shared>>) dst(%dma_wait3A_301 : memref<128x80xf32, #tpu.memory_space<hbm>>)
      tpu.yield
    }) : () -> ()
    %mul3A_138 = arith.constant 5 : i32
    %mul3A_139 = arith.muli %arg1, %mul3A_138 : i32
    %add3A_140 = arith.constant 4 : i32
    %add3A_141 = arith.addi %mul3A_139, %add3A_140 : i32
    %mul3A_142 = arith.constant 128 : i32
    %mul3A_143 = arith.muli %add3A_141, %mul3A_142 : i32
    %run_scoped3A_144 = arith.constant 1 : i32
    "tpu.region"() ({
      %run_scoped3A_295 = tpu.sem_alloc : memref<!tpu.dma_semaphore, #tpu.memory_space<semaphore_mem>>
      %dma_start3A = arith.constant 0 : i32
      %dma_start3A_296 = tpu.memref_slice %arg6[%arg0, %run_scoped3A_144, %mul3A_143, %dma_start3A] : memref<2x4x10240x80xf32, #tpu.memory_space<hbm>> -> memref<1x1x128x80xf32, #tpu.memory_space<hbm>>
      %dma_start3A_297 = tpu.memref_squeeze %dma_start3A_296 : memref<1x1x128x80xf32, #tpu.memory_space<hbm>> -> memref<128x80xf32, #tpu.memory_space<hbm>>
      %dma_start3A_298 = arith.constant 0 : i32
      %dma_start3A_299 = tpu.memref_slice %arg11[%mul3A_143, %dma_start3A_298] : memref<10240x80xf32, #tpu.memory_space<vmem_shared>> -> memref<128x80xf32, #tpu.memory_space<vmem_shared>>
      tpu.enqueue_dma source(%dma_start3A_299 : memref<128x80xf32, #tpu.memory_space<vmem_shared>>) target(%dma_start3A_297 : memref<128x80xf32, #tpu.memory_space<hbm>>) target_semaphore(%run_scoped3A_295 : memref<!tpu.dma_semaphore, #tpu.memory_space<semaphore_mem>>)
      %dma_wait3A = arith.constant 0 : i32
      %dma_wait3A_300 = tpu.memref_slice %arg6[%arg0, %run_scoped3A_144, %mul3A_143, %dma_wait3A] : memref<2x4x10240x80xf32, #tpu.memory_space<hbm>> -> memref<1x1x128x80xf32, #tpu.memory_space<hbm>>
      %dma_wait3A_301 = tpu.memref_squeeze %dma_wait3A_300 : memref<1x1x128x80xf32, #tpu.memory_space<hbm>> -> memref<128x80xf32, #tpu.memory_space<hbm>>
      %dma_wait3A_302 = arith.constant 0 : i32
      %dma_wait3A_303 = tpu.memref_slice %arg11[%mul3A_143, %dma_wait3A_302] : memref<10240x80xf32, #tpu.memory_space<vmem_shared>> -> memref<128x80xf32, #tpu.memory_space<vmem_shared>>
      tpu.wait_dma2 semaphore(%run_scoped3A_295 : memref<!tpu.dma_semaphore, #tpu.memory_space<semaphore_mem>>) src(%dma_wait3A_303 : memref<128x80xf32, #tpu.memory_space<vmem_shared>>) dst(%dma_wait3A_301 : memref<128x80xf32, #tpu.memory_space<hbm>>)
      tpu.yield
    }) : () -> ()
    %run_scoped3A_145 = arith.constant 2 : i32
    "tpu.region"() ({
      %run_scoped3A_295 = tpu.sem_alloc : memref<!tpu.dma_semaphore, #tpu.memory_space<semaphore_mem>>
      %dma_start3A = arith.constant 0 : i32
      %dma_start3A_296 = arith.constant 0 : i32
      %dma_start3A_297 = tpu.memref_slice %arg3[%run_scoped3A_145, %arg1, %dma_start3A, %dma_start3A_296] : memref<4x16x80x125xi32, #tpu.memory_space<hbm>> -> memref<1x1x80x125xi32, #tpu.memory_space<hbm>>
      %dma_start3A_298 = tpu.memref_squeeze %dma_start3A_297 : memref<1x1x80x125xi32, #tpu.memory_space<hbm>> -> memref<80x125xi32, #tpu.memory_space<hbm>>
      %dma_start3A_299 = arith.constant 0 : i32
      %dma_start3A_300 = arith.constant 0 : i32
      %dma_start3A_301 = tpu.memref_slice %arg3[%run_scoped3A_145, %arg1, %dma_start3A_299, %dma_start3A_300] : memref<4x16x80x125xi32, #tpu.memory_space<hbm>> -> memref<1x1x80x125xi32, #tpu.memory_space<hbm>>
      %dma_start3A_302 = tpu.memref_squeeze %dma_start3A_301 : memref<1x1x80x125xi32, #tpu.memory_space<hbm>> -> memref<80x125xi32, #tpu.memory_space<hbm>>
      tpu.enqueue_dma source(%dma_start3A_302 : memref<80x125xi32, #tpu.memory_space<hbm>>) target(%arg7 : memref<80x125xi32, #tpu.memory_space<vmem>>) target_semaphore(%run_scoped3A_295 : memref<!tpu.dma_semaphore, #tpu.memory_space<semaphore_mem>>)
      %dma_wait3A = arith.constant 0 : i32
      %dma_wait3A_303 = arith.constant 0 : i32
      %dma_wait3A_304 = tpu.memref_slice %arg3[%run_scoped3A_145, %arg1, %dma_wait3A, %dma_wait3A_303] : memref<4x16x80x125xi32, #tpu.memory_space<hbm>> -> memref<1x1x80x125xi32, #tpu.memory_space<hbm>>
      %dma_wait3A_305 = tpu.memref_squeeze %dma_wait3A_304 : memref<1x1x80x125xi32, #tpu.memory_space<hbm>> -> memref<80x125xi32, #tpu.memory_space<hbm>>
      %dma_wait3A_306 = arith.constant 0 : i32
      %dma_wait3A_307 = arith.constant 0 : i32
      %dma_wait3A_308 = tpu.memref_slice %arg3[%run_scoped3A_145, %arg1, %dma_wait3A_306, %dma_wait3A_307] : memref<4x16x80x125xi32, #tpu.memory_space<hbm>> -> memref<1x1x80x125xi32, #tpu.memory_space<hbm>>
      %dma_wait3A_309 = tpu.memref_squeeze %dma_wait3A_308 : memref<1x1x80x125xi32, #tpu.memory_space<hbm>> -> memref<80x125xi32, #tpu.memory_space<hbm>>
      tpu.wait_dma2 semaphore(%run_scoped3A_295 : memref<!tpu.dma_semaphore, #tpu.memory_space<semaphore_mem>>) src(%dma_wait3A_309 : memref<80x125xi32, #tpu.memory_space<hbm>>) dst(%arg7 : memref<80x125xi32, #tpu.memory_space<vmem>>)
      tpu.yield
    }) : () -> ()
    %run_scoped3A_146 = arith.constant 2 : i32
    "tpu.region"() ({
      %run_scoped3A_295 = tpu.sem_alloc : memref<!tpu.dma_semaphore, #tpu.memory_space<semaphore_mem>>
      %dma_start3A = arith.constant 0 : i32
      %dma_start3A_296 = arith.constant 0 : i32
      %dma_start3A_297 = tpu.memref_slice %arg4[%run_scoped3A_146, %arg1, %dma_start3A, %dma_start3A_296] : memref<4x16x80x125xi32, #tpu.memory_space<hbm>> -> memref<1x1x80x125xi32, #tpu.memory_space<hbm>>
      %dma_start3A_298 = tpu.memref_squeeze %dma_start3A_297 : memref<1x1x80x125xi32, #tpu.memory_space<hbm>> -> memref<80x125xi32, #tpu.memory_space<hbm>>
      %dma_start3A_299 = arith.constant 0 : i32
      %dma_start3A_300 = arith.constant 0 : i32
      %dma_start3A_301 = tpu.memref_slice %arg4[%run_scoped3A_146, %arg1, %dma_start3A_299, %dma_start3A_300] : memref<4x16x80x125xi32, #tpu.memory_space<hbm>> -> memref<1x1x80x125xi32, #tpu.memory_space<hbm>>
      %dma_start3A_302 = tpu.memref_squeeze %dma_start3A_301 : memref<1x1x80x125xi32, #tpu.memory_space<hbm>> -> memref<80x125xi32, #tpu.memory_space<hbm>>
      tpu.enqueue_dma source(%dma_start3A_302 : memref<80x125xi32, #tpu.memory_space<hbm>>) target(%arg8 : memref<80x125xi32, #tpu.memory_space<vmem>>) target_semaphore(%run_scoped3A_295 : memref<!tpu.dma_semaphore, #tpu.memory_space<semaphore_mem>>)
      %dma_wait3A = arith.constant 0 : i32
      %dma_wait3A_303 = arith.constant 0 : i32
      %dma_wait3A_304 = tpu.memref_slice %arg4[%run_scoped3A_146, %arg1, %dma_wait3A, %dma_wait3A_303] : memref<4x16x80x125xi32, #tpu.memory_space<hbm>> -> memref<1x1x80x125xi32, #tpu.memory_space<hbm>>
      %dma_wait3A_305 = tpu.memref_squeeze %dma_wait3A_304 : memref<1x1x80x125xi32, #tpu.memory_space<hbm>> -> memref<80x125xi32, #tpu.memory_space<hbm>>
      %dma_wait3A_306 = arith.constant 0 : i32
      %dma_wait3A_307 = arith.constant 0 : i32
      %dma_wait3A_308 = tpu.memref_slice %arg4[%run_scoped3A_146, %arg1, %dma_wait3A_306, %dma_wait3A_307] : memref<4x16x80x125xi32, #tpu.memory_space<hbm>> -> memref<1x1x80x125xi32, #tpu.memory_space<hbm>>
      %dma_wait3A_309 = tpu.memref_squeeze %dma_wait3A_308 : memref<1x1x80x125xi32, #tpu.memory_space<hbm>> -> memref<80x125xi32, #tpu.memory_space<hbm>>
      tpu.wait_dma2 semaphore(%run_scoped3A_295 : memref<!tpu.dma_semaphore, #tpu.memory_space<semaphore_mem>>) src(%dma_wait3A_309 : memref<80x125xi32, #tpu.memory_space<hbm>>) dst(%arg8 : memref<80x125xi32, #tpu.memory_space<vmem>>)
      tpu.yield
    }) : () -> ()
    %mul3A_147 = arith.constant 5 : i32
    %mul3A_148 = arith.muli %arg1, %mul3A_147 : i32
    %add3A_149 = arith.constant 0 : i32
    %add3A_150 = arith.addi %mul3A_148, %add3A_149 : i32
    %mul3A_151 = arith.constant 128 : i32
    %mul3A_152 = arith.muli %add3A_150, %mul3A_151 : i32
    "tpu.region"() ({
      %run_scoped3A_295 = tpu.sem_alloc : memref<!tpu.dma_semaphore, #tpu.memory_space<semaphore_mem>>
      %dma_start3A = arith.constant 0 : i32
      %dma_start3A_296 = tpu.memref_slice %arg11[%mul3A_152, %dma_start3A] : memref<10240x80xf32, #tpu.memory_space<vmem_shared>> -> memref<128x80xf32, #tpu.memory_space<vmem_shared>>
      %dma_start3A_297 = arith.constant 0 : i32
      %dma_start3A_298 = tpu.memref_slice %arg11[%mul3A_152, %dma_start3A_297] : memref<10240x80xf32, #tpu.memory_space<vmem_shared>> -> memref<128x80xf32, #tpu.memory_space<vmem_shared>>
      tpu.enqueue_dma source(%arg10 : memref<128x80xf32, #tpu.memory_space<vmem>>) target(%dma_start3A_298 : memref<128x80xf32, #tpu.memory_space<vmem_shared>>) target_semaphore(%run_scoped3A_295 : memref<!tpu.dma_semaphore, #tpu.memory_space<semaphore_mem>>)
      %dma_wait3A = arith.constant 0 : i32
      %dma_wait3A_299 = tpu.memref_slice %arg11[%mul3A_152, %dma_wait3A] : memref<10240x80xf32, #tpu.memory_space<vmem_shared>> -> memref<128x80xf32, #tpu.memory_space<vmem_shared>>
      %dma_wait3A_300 = arith.constant 0 : i32
      %dma_wait3A_301 = tpu.memref_slice %arg11[%mul3A_152, %dma_wait3A_300] : memref<10240x80xf32, #tpu.memory_space<vmem_shared>> -> memref<128x80xf32, #tpu.memory_space<vmem_shared>>
      tpu.wait_dma2 semaphore(%run_scoped3A_295 : memref<!tpu.dma_semaphore, #tpu.memory_space<semaphore_mem>>) src(%arg10 : memref<128x80xf32, #tpu.memory_space<vmem>>) dst(%dma_wait3A_301 : memref<128x80xf32, #tpu.memory_space<vmem_shared>>)
      tpu.yield
    }) : () -> ()
    %mul3A_153 = arith.constant 5 : i32
    %mul3A_154 = arith.muli %arg1, %mul3A_153 : i32
    %add3A_155 = arith.constant 1 : i32
    %add3A_156 = arith.addi %mul3A_154, %add3A_155 : i32
    %mul3A_157 = arith.constant 128 : i32
    %mul3A_158 = arith.muli %add3A_156, %mul3A_157 : i32
    "tpu.region"() ({
      %run_scoped3A_295 = tpu.sem_alloc : memref<!tpu.dma_semaphore, #tpu.memory_space<semaphore_mem>>
      %dma_start3A = arith.constant 0 : i32
      %dma_start3A_296 = tpu.memref_slice %arg11[%mul3A_158, %dma_start3A] : memref<10240x80xf32, #tpu.memory_space<vmem_shared>> -> memref<128x80xf32, #tpu.memory_space<vmem_shared>>
      %dma_start3A_297 = arith.constant 0 : i32
      %dma_start3A_298 = tpu.memref_slice %arg11[%mul3A_158, %dma_start3A_297] : memref<10240x80xf32, #tpu.memory_space<vmem_shared>> -> memref<128x80xf32, #tpu.memory_space<vmem_shared>>
      tpu.enqueue_dma source(%arg10 : memref<128x80xf32, #tpu.memory_space<vmem>>) target(%dma_start3A_298 : memref<128x80xf32, #tpu.memory_space<vmem_shared>>) target_semaphore(%run_scoped3A_295 : memref<!tpu.dma_semaphore, #tpu.memory_space<semaphore_mem>>)
      %dma_wait3A = arith.constant 0 : i32
      %dma_wait3A_299 = tpu.memref_slice %arg11[%mul3A_158, %dma_wait3A] : memref<10240x80xf32, #tpu.memory_space<vmem_shared>> -> memref<128x80xf32, #tpu.memory_space<vmem_shared>>
      %dma_wait3A_300 = arith.constant 0 : i32
      %dma_wait3A_301 = tpu.memref_slice %arg11[%mul3A_158, %dma_wait3A_300] : memref<10240x80xf32, #tpu.memory_space<vmem_shared>> -> memref<128x80xf32, #tpu.memory_space<vmem_shared>>
      tpu.wait_dma2 semaphore(%run_scoped3A_295 : memref<!tpu.dma_semaphore, #tpu.memory_space<semaphore_mem>>) src(%arg10 : memref<128x80xf32, #tpu.memory_space<vmem>>) dst(%dma_wait3A_301 : memref<128x80xf32, #tpu.memory_space<vmem_shared>>)
      tpu.yield
    }) : () -> ()
    %mul3A_159 = arith.constant 5 : i32
    %mul3A_160 = arith.muli %arg1, %mul3A_159 : i32
    %add3A_161 = arith.constant 2 : i32
    %add3A_162 = arith.addi %mul3A_160, %add3A_161 : i32
    %mul3A_163 = arith.constant 128 : i32
    %mul3A_164 = arith.muli %add3A_162, %mul3A_163 : i32
    "tpu.region"() ({
      %run_scoped3A_295 = tpu.sem_alloc : memref<!tpu.dma_semaphore, #tpu.memory_space<semaphore_mem>>
      %dma_start3A = arith.constant 0 : i32
      %dma_start3A_296 = tpu.memref_slice %arg11[%mul3A_164, %dma_start3A] : memref<10240x80xf32, #tpu.memory_space<vmem_shared>> -> memref<128x80xf32, #tpu.memory_space<vmem_shared>>
      %dma_start3A_297 = arith.constant 0 : i32
      %dma_start3A_298 = tpu.memref_slice %arg11[%mul3A_164, %dma_start3A_297] : memref<10240x80xf32, #tpu.memory_space<vmem_shared>> -> memref<128x80xf32, #tpu.memory_space<vmem_shared>>
      tpu.enqueue_dma source(%arg10 : memref<128x80xf32, #tpu.memory_space<vmem>>) target(%dma_start3A_298 : memref<128x80xf32, #tpu.memory_space<vmem_shared>>) target_semaphore(%run_scoped3A_295 : memref<!tpu.dma_semaphore, #tpu.memory_space<semaphore_mem>>)
      %dma_wait3A = arith.constant 0 : i32
      %dma_wait3A_299 = tpu.memref_slice %arg11[%mul3A_164, %dma_wait3A] : memref<10240x80xf32, #tpu.memory_space<vmem_shared>> -> memref<128x80xf32, #tpu.memory_space<vmem_shared>>
      %dma_wait3A_300 = arith.constant 0 : i32
      %dma_wait3A_301 = tpu.memref_slice %arg11[%mul3A_164, %dma_wait3A_300] : memref<10240x80xf32, #tpu.memory_space<vmem_shared>> -> memref<128x80xf32, #tpu.memory_space<vmem_shared>>
      tpu.wait_dma2 semaphore(%run_scoped3A_295 : memref<!tpu.dma_semaphore, #tpu.memory_space<semaphore_mem>>) src(%arg10 : memref<128x80xf32, #tpu.memory_space<vmem>>) dst(%dma_wait3A_301 : memref<128x80xf32, #tpu.memory_space<vmem_shared>>)
      tpu.yield
    }) : () -> ()
    %mul3A_165 = arith.constant 5 : i32
    %mul3A_166 = arith.muli %arg1, %mul3A_165 : i32
    %add3A_167 = arith.constant 3 : i32
    %add3A_168 = arith.addi %mul3A_166, %add3A_167 : i32
    %mul3A_169 = arith.constant 128 : i32
    %mul3A_170 = arith.muli %add3A_168, %mul3A_169 : i32
    "tpu.region"() ({
      %run_scoped3A_295 = tpu.sem_alloc : memref<!tpu.dma_semaphore, #tpu.memory_space<semaphore_mem>>
      %dma_start3A = arith.constant 0 : i32
      %dma_start3A_296 = tpu.memref_slice %arg11[%mul3A_170, %dma_start3A] : memref<10240x80xf32, #tpu.memory_space<vmem_shared>> -> memref<128x80xf32, #tpu.memory_space<vmem_shared>>
      %dma_start3A_297 = arith.constant 0 : i32
      %dma_start3A_298 = tpu.memref_slice %arg11[%mul3A_170, %dma_start3A_297] : memref<10240x80xf32, #tpu.memory_space<vmem_shared>> -> memref<128x80xf32, #tpu.memory_space<vmem_shared>>
      tpu.enqueue_dma source(%arg10 : memref<128x80xf32, #tpu.memory_space<vmem>>) target(%dma_start3A_298 : memref<128x80xf32, #tpu.memory_space<vmem_shared>>) target_semaphore(%run_scoped3A_295 : memref<!tpu.dma_semaphore, #tpu.memory_space<semaphore_mem>>)
      %dma_wait3A = arith.constant 0 : i32
      %dma_wait3A_299 = tpu.memref_slice %arg11[%mul3A_170, %dma_wait3A] : memref<10240x80xf32, #tpu.memory_space<vmem_shared>> -> memref<128x80xf32, #tpu.memory_space<vmem_shared>>
      %dma_wait3A_300 = arith.constant 0 : i32
      %dma_wait3A_301 = tpu.memref_slice %arg11[%mul3A_170, %dma_wait3A_300] : memref<10240x80xf32, #tpu.memory_space<vmem_shared>> -> memref<128x80xf32, #tpu.memory_space<vmem_shared>>
      tpu.wait_dma2 semaphore(%run_scoped3A_295 : memref<!tpu.dma_semaphore, #tpu.memory_space<semaphore_mem>>) src(%arg10 : memref<128x80xf32, #tpu.memory_space<vmem>>) dst(%dma_wait3A_301 : memref<128x80xf32, #tpu.memory_space<vmem_shared>>)
      tpu.yield
    }) : () -> ()
    %mul3A_171 = arith.constant 5 : i32
    %mul3A_172 = arith.muli %arg1, %mul3A_171 : i32
    %add3A_173 = arith.constant 4 : i32
    %add3A_174 = arith.addi %mul3A_172, %add3A_173 : i32
    %mul3A_175 = arith.constant 128 : i32
    %mul3A_176 = arith.muli %add3A_174, %mul3A_175 : i32
    "tpu.region"() ({
      %run_scoped3A_295 = tpu.sem_alloc : memref<!tpu.dma_semaphore, #tpu.memory_space<semaphore_mem>>
      %dma_start3A = arith.constant 0 : i32
      %dma_start3A_296 = tpu.memref_slice %arg11[%mul3A_176, %dma_start3A] : memref<10240x80xf32, #tpu.memory_space<vmem_shared>> -> memref<128x80xf32, #tpu.memory_space<vmem_shared>>
      %dma_start3A_297 = arith.constant 0 : i32
      %dma_start3A_298 = tpu.memref_slice %arg11[%mul3A_176, %dma_start3A_297] : memref<10240x80xf32, #tpu.memory_space<vmem_shared>> -> memref<128x80xf32, #tpu.memory_space<vmem_shared>>
      tpu.enqueue_dma source(%arg10 : memref<128x80xf32, #tpu.memory_space<vmem>>) target(%dma_start3A_298 : memref<128x80xf32, #tpu.memory_space<vmem_shared>>) target_semaphore(%run_scoped3A_295 : memref<!tpu.dma_semaphore, #tpu.memory_space<semaphore_mem>>)
      %dma_wait3A = arith.constant 0 : i32
      %dma_wait3A_299 = tpu.memref_slice %arg11[%mul3A_176, %dma_wait3A] : memref<10240x80xf32, #tpu.memory_space<vmem_shared>> -> memref<128x80xf32, #tpu.memory_space<vmem_shared>>
      %dma_wait3A_300 = arith.constant 0 : i32
      %dma_wait3A_301 = tpu.memref_slice %arg11[%mul3A_176, %dma_wait3A_300] : memref<10240x80xf32, #tpu.memory_space<vmem_shared>> -> memref<128x80xf32, #tpu.memory_space<vmem_shared>>
      tpu.wait_dma2 semaphore(%run_scoped3A_295 : memref<!tpu.dma_semaphore, #tpu.memory_space<semaphore_mem>>) src(%arg10 : memref<128x80xf32, #tpu.memory_space<vmem>>) dst(%dma_wait3A_301 : memref<128x80xf32, #tpu.memory_space<vmem_shared>>)
      tpu.yield
    }) : () -> ()
    %barrier3A_177 = arith.constant 0 : index
    tpu.barrier barrier_id(%barrier3A_177)
    %scan3A_178 = arith.constant 0 : i32
    %scan3A_179 = arith.constant 0 : i32
    %scan3A_180 = arith.constant 80 : i32
    %scan3A_181 = arith.addi %scan3A_179, %scan3A_180 : i32
    %scan3A_182 = arith.constant 1 : i32
    scf.for %scan3A_295 = %scan3A_179 to %scan3A_181 step %scan3A_182  : i32 {
      %dma_start3A = arith.constant 0 : i32
      %dma_start3A_296 = tpu.memref_slice %arg7[%scan3A_295, %dma_start3A] : memref<80x125xi32, #tpu.memory_space<vmem>> -> memref<1x125xi32, #tpu.memory_space<vmem>>
      %dma_start3A_297 = tpu.memref_squeeze %dma_start3A_296 : memref<1x125xi32, #tpu.memory_space<vmem>> -> memref<125xi32, #tpu.memory_space<vmem>>
      %dma_start3A_298 = arith.constant 0 : i32
      %dma_start3A_299 = arith.constant 0 : i32
      %dma_start3A_300 = tpu.memref_slice %arg2[%arg0, %dma_start3A_298, %dma_start3A_299] : memref<2x10000x80xf32, #tpu.memory_space<hbm>> -> memref<1x10000x80xf32, #tpu.memory_space<hbm>>
      %dma_start3A_301 = tpu.memref_squeeze %dma_start3A_300 : memref<1x10000x80xf32, #tpu.memory_space<hbm>> -> memref<10000x80xf32, #tpu.memory_space<hbm>>
      %dma_start3A_302 = arith.constant 0 : i32
      %dma_start3A_303 = arith.constant 0 : i32
      %dma_start3A_304 = tpu.memref_slice %dma_start3A_301[%dma_start3A_302, %dma_start3A_303] : memref<10000x80xf32, #tpu.memory_space<hbm>> -> memref<10000x80xf32, #tpu.memory_space<hbm>>
      tpu.enqueue_indirect_dma source(%dma_start3A_304 : memref<10000x80xf32, #tpu.memory_space<hbm>>) target(%arg9 : memref<125x80xf32, #tpu.memory_space<vmem>>) offsets(%dma_start3A_297 : memref<125xi32, #tpu.memory_space<vmem>>) semaphore(%arg12 : memref<!tpu.dma_semaphore, #tpu.memory_space<semaphore_mem>>)
      %dma_wait3A = arith.constant 0 : i32
      %dma_wait3A_305 = tpu.memref_slice %arg7[%scan3A_295, %dma_wait3A] : memref<80x125xi32, #tpu.memory_space<vmem>> -> memref<1x125xi32, #tpu.memory_space<vmem>>
      %dma_wait3A_306 = tpu.memref_squeeze %dma_wait3A_305 : memref<1x125xi32, #tpu.memory_space<vmem>> -> memref<125xi32, #tpu.memory_space<vmem>>
      %dma_wait3A_307 = arith.constant 0 : i32
      %dma_wait3A_308 = arith.constant 0 : i32
      %dma_wait3A_309 = tpu.memref_slice %arg2[%arg0, %dma_wait3A_307, %dma_wait3A_308] : memref<2x10000x80xf32, #tpu.memory_space<hbm>> -> memref<1x10000x80xf32, #tpu.memory_space<hbm>>
      %dma_wait3A_310 = tpu.memref_squeeze %dma_wait3A_309 : memref<1x10000x80xf32, #tpu.memory_space<hbm>> -> memref<10000x80xf32, #tpu.memory_space<hbm>>
      %dma_wait3A_311 = arith.constant 0 : i32
      %dma_wait3A_312 = arith.constant 0 : i32
      %dma_wait3A_313 = tpu.memref_slice %dma_wait3A_310[%dma_wait3A_311, %dma_wait3A_312] : memref<10000x80xf32, #tpu.memory_space<hbm>> -> memref<10000x80xf32, #tpu.memory_space<hbm>>
      tpu.wait_indirect_dma semaphore(%arg12 : memref<!tpu.dma_semaphore, #tpu.memory_space<semaphore_mem>>) src(%dma_wait3A_313 : memref<10000x80xf32, #tpu.memory_space<hbm>>) dst(%arg9 : memref<125x80xf32, #tpu.memory_space<vmem>>)
      "tpu.region"() ({
        %run_scoped3A_314 = tpu.sem_alloc : memref<!tpu.dma_semaphore, #tpu.memory_space<semaphore_mem>>
        %dma_start3A_315 = arith.constant 0 : i32
        %dma_start3A_316 = tpu.memref_slice %arg8[%scan3A_295, %dma_start3A_315] : memref<80x125xi32, #tpu.memory_space<vmem>> -> memref<1x125xi32, #tpu.memory_space<vmem>>
        %dma_start3A_317 = tpu.memref_squeeze %dma_start3A_316 : memref<1x125xi32, #tpu.memory_space<vmem>> -> memref<125xi32, #tpu.memory_space<vmem>>
        %dma_start3A_318 = arith.constant 0 : i32
        %dma_start3A_319 = arith.constant 0 : i32
        %dma_start3A_320 = tpu.memref_slice %arg11[%dma_start3A_318, %dma_start3A_319] : memref<10240x80xf32, #tpu.memory_space<vmem_shared>> -> memref<10240x80xf32, #tpu.memory_space<vmem_shared>>
        tpu.enqueue_indirect_dma source(%arg9 : memref<125x80xf32, #tpu.memory_space<vmem>>) target(%dma_start3A_320 : memref<10240x80xf32, #tpu.memory_space<vmem_shared>>) offsets(%dma_start3A_317 : memref<125xi32, #tpu.memory_space<vmem>>) semaphore(%run_scoped3A_314 : memref<!tpu.dma_semaphore, #tpu.memory_space<semaphore_mem>>) {add = true}
        %dma_wait3A_321 = arith.constant 0 : i32
        %dma_wait3A_322 = tpu.memref_slice %arg8[%scan3A_295, %dma_wait3A_321] : memref<80x125xi32, #tpu.memory_space<vmem>> -> memref<1x125xi32, #tpu.memory_space<vmem>>
        %dma_wait3A_323 = tpu.memref_squeeze %dma_wait3A_322 : memref<1x125xi32, #tpu.memory_space<vmem>> -> memref<125xi32, #tpu.memory_space<vmem>>
        %dma_wait3A_324 = arith.constant 0 : i32
        %dma_wait3A_325 = arith.constant 0 : i32
        %dma_wait3A_326 = tpu.memref_slice %arg11[%dma_wait3A_324, %dma_wait3A_325] : memref<10240x80xf32, #tpu.memory_space<vmem_shared>> -> memref<10240x80xf32, #tpu.memory_space<vmem_shared>>
        tpu.wait_indirect_dma semaphore(%run_scoped3A_314 : memref<!tpu.dma_semaphore, #tpu.memory_space<semaphore_mem>>) src(%arg9 : memref<125x80xf32, #tpu.memory_space<vmem>>) dst(%dma_wait3A_326 : memref<10240x80xf32, #tpu.memory_space<vmem_shared>>)
        tpu.yield
      }) : () -> ()
    }
    %scan3A_183 = arith.constant 80 : i32
    %barrier3A_184 = arith.constant 0 : index
    tpu.barrier barrier_id(%barrier3A_184)
    %mul3A_185 = arith.constant 5 : i32
    %mul3A_186 = arith.muli %arg1, %mul3A_185 : i32
    %add3A_187 = arith.constant 0 : i32
    %add3A_188 = arith.addi %mul3A_186, %add3A_187 : i32
    %mul3A_189 = arith.constant 128 : i32
    %mul3A_190 = arith.muli %add3A_188, %mul3A_189 : i32
    %run_scoped3A_191 = arith.constant 2 : i32
    "tpu.region"() ({
      %run_scoped3A_295 = tpu.sem_alloc : memref<!tpu.dma_semaphore, #tpu.memory_space<semaphore_mem>>
      %dma_start3A = arith.constant 0 : i32
      %dma_start3A_296 = tpu.memref_slice %arg6[%arg0, %run_scoped3A_191, %mul3A_190, %dma_start3A] : memref<2x4x10240x80xf32, #tpu.memory_space<hbm>> -> memref<1x1x128x80xf32, #tpu.memory_space<hbm>>
      %dma_start3A_297 = tpu.memref_squeeze %dma_start3A_296 : memref<1x1x128x80xf32, #tpu.memory_space<hbm>> -> memref<128x80xf32, #tpu.memory_space<hbm>>
      %dma_start3A_298 = arith.constant 0 : i32
      %dma_start3A_299 = tpu.memref_slice %arg11[%mul3A_190, %dma_start3A_298] : memref<10240x80xf32, #tpu.memory_space<vmem_shared>> -> memref<128x80xf32, #tpu.memory_space<vmem_shared>>
      tpu.enqueue_dma source(%dma_start3A_299 : memref<128x80xf32, #tpu.memory_space<vmem_shared>>) target(%dma_start3A_297 : memref<128x80xf32, #tpu.memory_space<hbm>>) target_semaphore(%run_scoped3A_295 : memref<!tpu.dma_semaphore, #tpu.memory_space<semaphore_mem>>)
      %dma_wait3A = arith.constant 0 : i32
      %dma_wait3A_300 = tpu.memref_slice %arg6[%arg0, %run_scoped3A_191, %mul3A_190, %dma_wait3A] : memref<2x4x10240x80xf32, #tpu.memory_space<hbm>> -> memref<1x1x128x80xf32, #tpu.memory_space<hbm>>
      %dma_wait3A_301 = tpu.memref_squeeze %dma_wait3A_300 : memref<1x1x128x80xf32, #tpu.memory_space<hbm>> -> memref<128x80xf32, #tpu.memory_space<hbm>>
      %dma_wait3A_302 = arith.constant 0 : i32
      %dma_wait3A_303 = tpu.memref_slice %arg11[%mul3A_190, %dma_wait3A_302] : memref<10240x80xf32, #tpu.memory_space<vmem_shared>> -> memref<128x80xf32, #tpu.memory_space<vmem_shared>>
      tpu.wait_dma2 semaphore(%run_scoped3A_295 : memref<!tpu.dma_semaphore, #tpu.memory_space<semaphore_mem>>) src(%dma_wait3A_303 : memref<128x80xf32, #tpu.memory_space<vmem_shared>>) dst(%dma_wait3A_301 : memref<128x80xf32, #tpu.memory_space<hbm>>)
      tpu.yield
    }) : () -> ()
    %mul3A_192 = arith.constant 5 : i32
    %mul3A_193 = arith.muli %arg1, %mul3A_192 : i32
    %add3A_194 = arith.constant 1 : i32
    %add3A_195 = arith.addi %mul3A_193, %add3A_194 : i32
    %mul3A_196 = arith.constant 128 : i32
    %mul3A_197 = arith.muli %add3A_195, %mul3A_196 : i32
    %run_scoped3A_198 = arith.constant 2 : i32
    "tpu.region"() ({
      %run_scoped3A_295 = tpu.sem_alloc : memref<!tpu.dma_semaphore, #tpu.memory_space<semaphore_mem>>
      %dma_start3A = arith.constant 0 : i32
      %dma_start3A_296 = tpu.memref_slice %arg6[%arg0, %run_scoped3A_198, %mul3A_197, %dma_start3A] : memref<2x4x10240x80xf32, #tpu.memory_space<hbm>> -> memref<1x1x128x80xf32, #tpu.memory_space<hbm>>
      %dma_start3A_297 = tpu.memref_squeeze %dma_start3A_296 : memref<1x1x128x80xf32, #tpu.memory_space<hbm>> -> memref<128x80xf32, #tpu.memory_space<hbm>>
      %dma_start3A_298 = arith.constant 0 : i32
      %dma_start3A_299 = tpu.memref_slice %arg11[%mul3A_197, %dma_start3A_298] : memref<10240x80xf32, #tpu.memory_space<vmem_shared>> -> memref<128x80xf32, #tpu.memory_space<vmem_shared>>
      tpu.enqueue_dma source(%dma_start3A_299 : memref<128x80xf32, #tpu.memory_space<vmem_shared>>) target(%dma_start3A_297 : memref<128x80xf32, #tpu.memory_space<hbm>>) target_semaphore(%run_scoped3A_295 : memref<!tpu.dma_semaphore, #tpu.memory_space<semaphore_mem>>)
      %dma_wait3A = arith.constant 0 : i32
      %dma_wait3A_300 = tpu.memref_slice %arg6[%arg0, %run_scoped3A_198, %mul3A_197, %dma_wait3A] : memref<2x4x10240x80xf32, #tpu.memory_space<hbm>> -> memref<1x1x128x80xf32, #tpu.memory_space<hbm>>
      %dma_wait3A_301 = tpu.memref_squeeze %dma_wait3A_300 : memref<1x1x128x80xf32, #tpu.memory_space<hbm>> -> memref<128x80xf32, #tpu.memory_space<hbm>>
      %dma_wait3A_302 = arith.constant 0 : i32
      %dma_wait3A_303 = tpu.memref_slice %arg11[%mul3A_197, %dma_wait3A_302] : memref<10240x80xf32, #tpu.memory_space<vmem_shared>> -> memref<128x80xf32, #tpu.memory_space<vmem_shared>>
      tpu.wait_dma2 semaphore(%run_scoped3A_295 : memref<!tpu.dma_semaphore, #tpu.memory_space<semaphore_mem>>) src(%dma_wait3A_303 : memref<128x80xf32, #tpu.memory_space<vmem_shared>>) dst(%dma_wait3A_301 : memref<128x80xf32, #tpu.memory_space<hbm>>)
      tpu.yield
    }) : () -> ()
    %mul3A_199 = arith.constant 5 : i32
    %mul3A_200 = arith.muli %arg1, %mul3A_199 : i32
    %add3A_201 = arith.constant 2 : i32
    %add3A_202 = arith.addi %mul3A_200, %add3A_201 : i32
    %mul3A_203 = arith.constant 128 : i32
    %mul3A_204 = arith.muli %add3A_202, %mul3A_203 : i32
    %run_scoped3A_205 = arith.constant 2 : i32
    "tpu.region"() ({
      %run_scoped3A_295 = tpu.sem_alloc : memref<!tpu.dma_semaphore, #tpu.memory_space<semaphore_mem>>
      %dma_start3A = arith.constant 0 : i32
      %dma_start3A_296 = tpu.memref_slice %arg6[%arg0, %run_scoped3A_205, %mul3A_204, %dma_start3A] : memref<2x4x10240x80xf32, #tpu.memory_space<hbm>> -> memref<1x1x128x80xf32, #tpu.memory_space<hbm>>
      %dma_start3A_297 = tpu.memref_squeeze %dma_start3A_296 : memref<1x1x128x80xf32, #tpu.memory_space<hbm>> -> memref<128x80xf32, #tpu.memory_space<hbm>>
      %dma_start3A_298 = arith.constant 0 : i32
      %dma_start3A_299 = tpu.memref_slice %arg11[%mul3A_204, %dma_start3A_298] : memref<10240x80xf32, #tpu.memory_space<vmem_shared>> -> memref<128x80xf32, #tpu.memory_space<vmem_shared>>
      tpu.enqueue_dma source(%dma_start3A_299 : memref<128x80xf32, #tpu.memory_space<vmem_shared>>) target(%dma_start3A_297 : memref<128x80xf32, #tpu.memory_space<hbm>>) target_semaphore(%run_scoped3A_295 : memref<!tpu.dma_semaphore, #tpu.memory_space<semaphore_mem>>)
      %dma_wait3A = arith.constant 0 : i32
      %dma_wait3A_300 = tpu.memref_slice %arg6[%arg0, %run_scoped3A_205, %mul3A_204, %dma_wait3A] : memref<2x4x10240x80xf32, #tpu.memory_space<hbm>> -> memref<1x1x128x80xf32, #tpu.memory_space<hbm>>
      %dma_wait3A_301 = tpu.memref_squeeze %dma_wait3A_300 : memref<1x1x128x80xf32, #tpu.memory_space<hbm>> -> memref<128x80xf32, #tpu.memory_space<hbm>>
      %dma_wait3A_302 = arith.constant 0 : i32
      %dma_wait3A_303 = tpu.memref_slice %arg11[%mul3A_204, %dma_wait3A_302] : memref<10240x80xf32, #tpu.memory_space<vmem_shared>> -> memref<128x80xf32, #tpu.memory_space<vmem_shared>>
      tpu.wait_dma2 semaphore(%run_scoped3A_295 : memref<!tpu.dma_semaphore, #tpu.memory_space<semaphore_mem>>) src(%dma_wait3A_303 : memref<128x80xf32, #tpu.memory_space<vmem_shared>>) dst(%dma_wait3A_301 : memref<128x80xf32, #tpu.memory_space<hbm>>)
      tpu.yield
    }) : () -> ()
    %mul3A_206 = arith.constant 5 : i32
    %mul3A_207 = arith.muli %arg1, %mul3A_206 : i32
    %add3A_208 = arith.constant 3 : i32
    %add3A_209 = arith.addi %mul3A_207, %add3A_208 : i32
    %mul3A_210 = arith.constant 128 : i32
    %mul3A_211 = arith.muli %add3A_209, %mul3A_210 : i32
    %run_scoped3A_212 = arith.constant 2 : i32
    "tpu.region"() ({
      %run_scoped3A_295 = tpu.sem_alloc : memref<!tpu.dma_semaphore, #tpu.memory_space<semaphore_mem>>
      %dma_start3A = arith.constant 0 : i32
      %dma_start3A_296 = tpu.memref_slice %arg6[%arg0, %run_scoped3A_212, %mul3A_211, %dma_start3A] : memref<2x4x10240x80xf32, #tpu.memory_space<hbm>> -> memref<1x1x128x80xf32, #tpu.memory_space<hbm>>
      %dma_start3A_297 = tpu.memref_squeeze %dma_start3A_296 : memref<1x1x128x80xf32, #tpu.memory_space<hbm>> -> memref<128x80xf32, #tpu.memory_space<hbm>>
      %dma_start3A_298 = arith.constant 0 : i32
      %dma_start3A_299 = tpu.memref_slice %arg11[%mul3A_211, %dma_start3A_298] : memref<10240x80xf32, #tpu.memory_space<vmem_shared>> -> memref<128x80xf32, #tpu.memory_space<vmem_shared>>
      tpu.enqueue_dma source(%dma_start3A_299 : memref<128x80xf32, #tpu.memory_space<vmem_shared>>) target(%dma_start3A_297 : memref<128x80xf32, #tpu.memory_space<hbm>>) target_semaphore(%run_scoped3A_295 : memref<!tpu.dma_semaphore, #tpu.memory_space<semaphore_mem>>)
      %dma_wait3A = arith.constant 0 : i32
      %dma_wait3A_300 = tpu.memref_slice %arg6[%arg0, %run_scoped3A_212, %mul3A_211, %dma_wait3A] : memref<2x4x10240x80xf32, #tpu.memory_space<hbm>> -> memref<1x1x128x80xf32, #tpu.memory_space<hbm>>
      %dma_wait3A_301 = tpu.memref_squeeze %dma_wait3A_300 : memref<1x1x128x80xf32, #tpu.memory_space<hbm>> -> memref<128x80xf32, #tpu.memory_space<hbm>>
      %dma_wait3A_302 = arith.constant 0 : i32
      %dma_wait3A_303 = tpu.memref_slice %arg11[%mul3A_211, %dma_wait3A_302] : memref<10240x80xf32, #tpu.memory_space<vmem_shared>> -> memref<128x80xf32, #tpu.memory_space<vmem_shared>>
      tpu.wait_dma2 semaphore(%run_scoped3A_295 : memref<!tpu.dma_semaphore, #tpu.memory_space<semaphore_mem>>) src(%dma_wait3A_303 : memref<128x80xf32, #tpu.memory_space<vmem_shared>>) dst(%dma_wait3A_301 : memref<128x80xf32, #tpu.memory_space<hbm>>)
      tpu.yield
    }) : () -> ()
    %mul3A_213 = arith.constant 5 : i32
    %mul3A_214 = arith.muli %arg1, %mul3A_213 : i32
    %add3A_215 = arith.constant 4 : i32
    %add3A_216 = arith.addi %mul3A_214, %add3A_215 : i32
    %mul3A_217 = arith.constant 128 : i32
    %mul3A_218 = arith.muli %add3A_216, %mul3A_217 : i32
    %run_scoped3A_219 = arith.constant 2 : i32
    "tpu.region"() ({
      %run_scoped3A_295 = tpu.sem_alloc : memref<!tpu.dma_semaphore, #tpu.memory_space<semaphore_mem>>
      %dma_start3A = arith.constant 0 : i32
      %dma_start3A_296 = tpu.memref_slice %arg6[%arg0, %run_scoped3A_219, %mul3A_218, %dma_start3A] : memref<2x4x10240x80xf32, #tpu.memory_space<hbm>> -> memref<1x1x128x80xf32, #tpu.memory_space<hbm>>
      %dma_start3A_297 = tpu.memref_squeeze %dma_start3A_296 : memref<1x1x128x80xf32, #tpu.memory_space<hbm>> -> memref<128x80xf32, #tpu.memory_space<hbm>>
      %dma_start3A_298 = arith.constant 0 : i32
      %dma_start3A_299 = tpu.memref_slice %arg11[%mul3A_218, %dma_start3A_298] : memref<10240x80xf32, #tpu.memory_space<vmem_shared>> -> memref<128x80xf32, #tpu.memory_space<vmem_shared>>
      tpu.enqueue_dma source(%dma_start3A_299 : memref<128x80xf32, #tpu.memory_space<vmem_shared>>) target(%dma_start3A_297 : memref<128x80xf32, #tpu.memory_space<hbm>>) target_semaphore(%run_scoped3A_295 : memref<!tpu.dma_semaphore, #tpu.memory_space<semaphore_mem>>)
      %dma_wait3A = arith.constant 0 : i32
      %dma_wait3A_300 = tpu.memref_slice %arg6[%arg0, %run_scoped3A_219, %mul3A_218, %dma_wait3A] : memref<2x4x10240x80xf32, #tpu.memory_space<hbm>> -> memref<1x1x128x80xf32, #tpu.memory_space<hbm>>
      %dma_wait3A_301 = tpu.memref_squeeze %dma_wait3A_300 : memref<1x1x128x80xf32, #tpu.memory_space<hbm>> -> memref<128x80xf32, #tpu.memory_space<hbm>>
      %dma_wait3A_302 = arith.constant 0 : i32
      %dma_wait3A_303 = tpu.memref_slice %arg11[%mul3A_218, %dma_wait3A_302] : memref<10240x80xf32, #tpu.memory_space<vmem_shared>> -> memref<128x80xf32, #tpu.memory_space<vmem_shared>>
      tpu.wait_dma2 semaphore(%run_scoped3A_295 : memref<!tpu.dma_semaphore, #tpu.memory_space<semaphore_mem>>) src(%dma_wait3A_303 : memref<128x80xf32, #tpu.memory_space<vmem_shared>>) dst(%dma_wait3A_301 : memref<128x80xf32, #tpu.memory_space<hbm>>)
      tpu.yield
    }) : () -> ()
    %run_scoped3A_220 = arith.constant 3 : i32
    "tpu.region"() ({
      %run_scoped3A_295 = tpu.sem_alloc : memref<!tpu.dma_semaphore, #tpu.memory_space<semaphore_mem>>
      %dma_start3A = arith.constant 0 : i32
      %dma_start3A_296 = arith.constant 0 : i32
      %dma_start3A_297 = tpu.memref_slice %arg3[%run_scoped3A_220, %arg1, %dma_start3A, %dma_start3A_296] : memref<4x16x80x125xi32, #tpu.memory_space<hbm>> -> memref<1x1x80x125xi32, #tpu.memory_space<hbm>>
      %dma_start3A_298 = tpu.memref_squeeze %dma_start3A_297 : memref<1x1x80x125xi32, #tpu.memory_space<hbm>> -> memref<80x125xi32, #tpu.memory_space<hbm>>
      %dma_start3A_299 = arith.constant 0 : i32
      %dma_start3A_300 = arith.constant 0 : i32
      %dma_start3A_301 = tpu.memref_slice %arg3[%run_scoped3A_220, %arg1, %dma_start3A_299, %dma_start3A_300] : memref<4x16x80x125xi32, #tpu.memory_space<hbm>> -> memref<1x1x80x125xi32, #tpu.memory_space<hbm>>
      %dma_start3A_302 = tpu.memref_squeeze %dma_start3A_301 : memref<1x1x80x125xi32, #tpu.memory_space<hbm>> -> memref<80x125xi32, #tpu.memory_space<hbm>>
      tpu.enqueue_dma source(%dma_start3A_302 : memref<80x125xi32, #tpu.memory_space<hbm>>) target(%arg7 : memref<80x125xi32, #tpu.memory_space<vmem>>) target_semaphore(%run_scoped3A_295 : memref<!tpu.dma_semaphore, #tpu.memory_space<semaphore_mem>>)
      %dma_wait3A = arith.constant 0 : i32
      %dma_wait3A_303 = arith.constant 0 : i32
      %dma_wait3A_304 = tpu.memref_slice %arg3[%run_scoped3A_220, %arg1, %dma_wait3A, %dma_wait3A_303] : memref<4x16x80x125xi32, #tpu.memory_space<hbm>> -> memref<1x1x80x125xi32, #tpu.memory_space<hbm>>
      %dma_wait3A_305 = tpu.memref_squeeze %dma_wait3A_304 : memref<1x1x80x125xi32, #tpu.memory_space<hbm>> -> memref<80x125xi32, #tpu.memory_space<hbm>>
      %dma_wait3A_306 = arith.constant 0 : i32
      %dma_wait3A_307 = arith.constant 0 : i32
      %dma_wait3A_308 = tpu.memref_slice %arg3[%run_scoped3A_220, %arg1, %dma_wait3A_306, %dma_wait3A_307] : memref<4x16x80x125xi32, #tpu.memory_space<hbm>> -> memref<1x1x80x125xi32, #tpu.memory_space<hbm>>
      %dma_wait3A_309 = tpu.memref_squeeze %dma_wait3A_308 : memref<1x1x80x125xi32, #tpu.memory_space<hbm>> -> memref<80x125xi32, #tpu.memory_space<hbm>>
      tpu.wait_dma2 semaphore(%run_scoped3A_295 : memref<!tpu.dma_semaphore, #tpu.memory_space<semaphore_mem>>) src(%dma_wait3A_309 : memref<80x125xi32, #tpu.memory_space<hbm>>) dst(%arg7 : memref<80x125xi32, #tpu.memory_space<vmem>>)
      tpu.yield
    }) : () -> ()
    %run_scoped3A_221 = arith.constant 3 : i32
    "tpu.region"() ({
      %run_scoped3A_295 = tpu.sem_alloc : memref<!tpu.dma_semaphore, #tpu.memory_space<semaphore_mem>>
      %dma_start3A = arith.constant 0 : i32
      %dma_start3A_296 = arith.constant 0 : i32
      %dma_start3A_297 = tpu.memref_slice %arg4[%run_scoped3A_221, %arg1, %dma_start3A, %dma_start3A_296] : memref<4x16x80x125xi32, #tpu.memory_space<hbm>> -> memref<1x1x80x125xi32, #tpu.memory_space<hbm>>
      %dma_start3A_298 = tpu.memref_squeeze %dma_start3A_297 : memref<1x1x80x125xi32, #tpu.memory_space<hbm>> -> memref<80x125xi32, #tpu.memory_space<hbm>>
      %dma_start3A_299 = arith.constant 0 : i32
      %dma_start3A_300 = arith.constant 0 : i32
      %dma_start3A_301 = tpu.memref_slice %arg4[%run_scoped3A_221, %arg1, %dma_start3A_299, %dma_start3A_300] : memref<4x16x80x125xi32, #tpu.memory_space<hbm>> -> memref<1x1x80x125xi32, #tpu.memory_space<hbm>>
      %dma_start3A_302 = tpu.memref_squeeze %dma_start3A_301 : memref<1x1x80x125xi32, #tpu.memory_space<hbm>> -> memref<80x125xi32, #tpu.memory_space<hbm>>
      tpu.enqueue_dma source(%dma_start3A_302 : memref<80x125xi32, #tpu.memory_space<hbm>>) target(%arg8 : memref<80x125xi32, #tpu.memory_space<vmem>>) target_semaphore(%run_scoped3A_295 : memref<!tpu.dma_semaphore, #tpu.memory_space<semaphore_mem>>)
      %dma_wait3A = arith.constant 0 : i32
      %dma_wait3A_303 = arith.constant 0 : i32
      %dma_wait3A_304 = tpu.memref_slice %arg4[%run_scoped3A_221, %arg1, %dma_wait3A, %dma_wait3A_303] : memref<4x16x80x125xi32, #tpu.memory_space<hbm>> -> memref<1x1x80x125xi32, #tpu.memory_space<hbm>>
      %dma_wait3A_305 = tpu.memref_squeeze %dma_wait3A_304 : memref<1x1x80x125xi32, #tpu.memory_space<hbm>> -> memref<80x125xi32, #tpu.memory_space<hbm>>
      %dma_wait3A_306 = arith.constant 0 : i32
      %dma_wait3A_307 = arith.constant 0 : i32
      %dma_wait3A_308 = tpu.memref_slice %arg4[%run_scoped3A_221, %arg1, %dma_wait3A_306, %dma_wait3A_307] : memref<4x16x80x125xi32, #tpu.memory_space<hbm>> -> memref<1x1x80x125xi32, #tpu.memory_space<hbm>>
      %dma_wait3A_309 = tpu.memref_squeeze %dma_wait3A_308 : memref<1x1x80x125xi32, #tpu.memory_space<hbm>> -> memref<80x125xi32, #tpu.memory_space<hbm>>
      tpu.wait_dma2 semaphore(%run_scoped3A_295 : memref<!tpu.dma_semaphore, #tpu.memory_space<semaphore_mem>>) src(%dma_wait3A_309 : memref<80x125xi32, #tpu.memory_space<hbm>>) dst(%arg8 : memref<80x125xi32, #tpu.memory_space<vmem>>)
      tpu.yield
    }) : () -> ()
    %mul3A_222 = arith.constant 5 : i32
    %mul3A_223 = arith.muli %arg1, %mul3A_222 : i32
    %add3A_224 = arith.constant 0 : i32
    %add3A_225 = arith.addi %mul3A_223, %add3A_224 : i32
    %mul3A_226 = arith.constant 128 : i32
    %mul3A_227 = arith.muli %add3A_225, %mul3A_226 : i32
    "tpu.region"() ({
      %run_scoped3A_295 = tpu.sem_alloc : memref<!tpu.dma_semaphore, #tpu.memory_space<semaphore_mem>>
      %dma_start3A = arith.constant 0 : i32
      %dma_start3A_296 = tpu.memref_slice %arg11[%mul3A_227, %dma_start3A] : memref<10240x80xf32, #tpu.memory_space<vmem_shared>> -> memref<128x80xf32, #tpu.memory_space<vmem_shared>>
      %dma_start3A_297 = arith.constant 0 : i32
      %dma_start3A_298 = tpu.memref_slice %arg11[%mul3A_227, %dma_start3A_297] : memref<10240x80xf32, #tpu.memory_space<vmem_shared>> -> memref<128x80xf32, #tpu.memory_space<vmem_shared>>
      tpu.enqueue_dma source(%arg10 : memref<128x80xf32, #tpu.memory_space<vmem>>) target(%dma_start3A_298 : memref<128x80xf32, #tpu.memory_space<vmem_shared>>) target_semaphore(%run_scoped3A_295 : memref<!tpu.dma_semaphore, #tpu.memory_space<semaphore_mem>>)
      %dma_wait3A = arith.constant 0 : i32
      %dma_wait3A_299 = tpu.memref_slice %arg11[%mul3A_227, %dma_wait3A] : memref<10240x80xf32, #tpu.memory_space<vmem_shared>> -> memref<128x80xf32, #tpu.memory_space<vmem_shared>>
      %dma_wait3A_300 = arith.constant 0 : i32
      %dma_wait3A_301 = tpu.memref_slice %arg11[%mul3A_227, %dma_wait3A_300] : memref<10240x80xf32, #tpu.memory_space<vmem_shared>> -> memref<128x80xf32, #tpu.memory_space<vmem_shared>>
      tpu.wait_dma2 semaphore(%run_scoped3A_295 : memref<!tpu.dma_semaphore, #tpu.memory_space<semaphore_mem>>) src(%arg10 : memref<128x80xf32, #tpu.memory_space<vmem>>) dst(%dma_wait3A_301 : memref<128x80xf32, #tpu.memory_space<vmem_shared>>)
      tpu.yield
    }) : () -> ()
    %mul3A_228 = arith.constant 5 : i32
    %mul3A_229 = arith.muli %arg1, %mul3A_228 : i32
    %add3A_230 = arith.constant 1 : i32
    %add3A_231 = arith.addi %mul3A_229, %add3A_230 : i32
    %mul3A_232 = arith.constant 128 : i32
    %mul3A_233 = arith.muli %add3A_231, %mul3A_232 : i32
    "tpu.region"() ({
      %run_scoped3A_295 = tpu.sem_alloc : memref<!tpu.dma_semaphore, #tpu.memory_space<semaphore_mem>>
      %dma_start3A = arith.constant 0 : i32
      %dma_start3A_296 = tpu.memref_slice %arg11[%mul3A_233, %dma_start3A] : memref<10240x80xf32, #tpu.memory_space<vmem_shared>> -> memref<128x80xf32, #tpu.memory_space<vmem_shared>>
      %dma_start3A_297 = arith.constant 0 : i32
      %dma_start3A_298 = tpu.memref_slice %arg11[%mul3A_233, %dma_start3A_297] : memref<10240x80xf32, #tpu.memory_space<vmem_shared>> -> memref<128x80xf32, #tpu.memory_space<vmem_shared>>
      tpu.enqueue_dma source(%arg10 : memref<128x80xf32, #tpu.memory_space<vmem>>) target(%dma_start3A_298 : memref<128x80xf32, #tpu.memory_space<vmem_shared>>) target_semaphore(%run_scoped3A_295 : memref<!tpu.dma_semaphore, #tpu.memory_space<semaphore_mem>>)
      %dma_wait3A = arith.constant 0 : i32
      %dma_wait3A_299 = tpu.memref_slice %arg11[%mul3A_233, %dma_wait3A] : memref<10240x80xf32, #tpu.memory_space<vmem_shared>> -> memref<128x80xf32, #tpu.memory_space<vmem_shared>>
      %dma_wait3A_300 = arith.constant 0 : i32
      %dma_wait3A_301 = tpu.memref_slice %arg11[%mul3A_233, %dma_wait3A_300] : memref<10240x80xf32, #tpu.memory_space<vmem_shared>> -> memref<128x80xf32, #tpu.memory_space<vmem_shared>>
      tpu.wait_dma2 semaphore(%run_scoped3A_295 : memref<!tpu.dma_semaphore, #tpu.memory_space<semaphore_mem>>) src(%arg10 : memref<128x80xf32, #tpu.memory_space<vmem>>) dst(%dma_wait3A_301 : memref<128x80xf32, #tpu.memory_space<vmem_shared>>)
      tpu.yield
    }) : () -> ()
    %mul3A_234 = arith.constant 5 : i32
    %mul3A_235 = arith.muli %arg1, %mul3A_234 : i32
    %add3A_236 = arith.constant 2 : i32
    %add3A_237 = arith.addi %mul3A_235, %add3A_236 : i32
    %mul3A_238 = arith.constant 128 : i32
    %mul3A_239 = arith.muli %add3A_237, %mul3A_238 : i32
    "tpu.region"() ({
      %run_scoped3A_295 = tpu.sem_alloc : memref<!tpu.dma_semaphore, #tpu.memory_space<semaphore_mem>>
      %dma_start3A = arith.constant 0 : i32
      %dma_start3A_296 = tpu.memref_slice %arg11[%mul3A_239, %dma_start3A] : memref<10240x80xf32, #tpu.memory_space<vmem_shared>> -> memref<128x80xf32, #tpu.memory_space<vmem_shared>>
      %dma_start3A_297 = arith.constant 0 : i32
      %dma_start3A_298 = tpu.memref_slice %arg11[%mul3A_239, %dma_start3A_297] : memref<10240x80xf32, #tpu.memory_space<vmem_shared>> -> memref<128x80xf32, #tpu.memory_space<vmem_shared>>
      tpu.enqueue_dma source(%arg10 : memref<128x80xf32, #tpu.memory_space<vmem>>) target(%dma_start3A_298 : memref<128x80xf32, #tpu.memory_space<vmem_shared>>) target_semaphore(%run_scoped3A_295 : memref<!tpu.dma_semaphore, #tpu.memory_space<semaphore_mem>>)
      %dma_wait3A = arith.constant 0 : i32
      %dma_wait3A_299 = tpu.memref_slice %arg11[%mul3A_239, %dma_wait3A] : memref<10240x80xf32, #tpu.memory_space<vmem_shared>> -> memref<128x80xf32, #tpu.memory_space<vmem_shared>>
      %dma_wait3A_300 = arith.constant 0 : i32
      %dma_wait3A_301 = tpu.memref_slice %arg11[%mul3A_239, %dma_wait3A_300] : memref<10240x80xf32, #tpu.memory_space<vmem_shared>> -> memref<128x80xf32, #tpu.memory_space<vmem_shared>>
      tpu.wait_dma2 semaphore(%run_scoped3A_295 : memref<!tpu.dma_semaphore, #tpu.memory_space<semaphore_mem>>) src(%arg10 : memref<128x80xf32, #tpu.memory_space<vmem>>) dst(%dma_wait3A_301 : memref<128x80xf32, #tpu.memory_space<vmem_shared>>)
      tpu.yield
    }) : () -> ()
    %mul3A_240 = arith.constant 5 : i32
    %mul3A_241 = arith.muli %arg1, %mul3A_240 : i32
    %add3A_242 = arith.constant 3 : i32
    %add3A_243 = arith.addi %mul3A_241, %add3A_242 : i32
    %mul3A_244 = arith.constant 128 : i32
    %mul3A_245 = arith.muli %add3A_243, %mul3A_244 : i32
    "tpu.region"() ({
      %run_scoped3A_295 = tpu.sem_alloc : memref<!tpu.dma_semaphore, #tpu.memory_space<semaphore_mem>>
      %dma_start3A = arith.constant 0 : i32
      %dma_start3A_296 = tpu.memref_slice %arg11[%mul3A_245, %dma_start3A] : memref<10240x80xf32, #tpu.memory_space<vmem_shared>> -> memref<128x80xf32, #tpu.memory_space<vmem_shared>>
      %dma_start3A_297 = arith.constant 0 : i32
      %dma_start3A_298 = tpu.memref_slice %arg11[%mul3A_245, %dma_start3A_297] : memref<10240x80xf32, #tpu.memory_space<vmem_shared>> -> memref<128x80xf32, #tpu.memory_space<vmem_shared>>
      tpu.enqueue_dma source(%arg10 : memref<128x80xf32, #tpu.memory_space<vmem>>) target(%dma_start3A_298 : memref<128x80xf32, #tpu.memory_space<vmem_shared>>) target_semaphore(%run_scoped3A_295 : memref<!tpu.dma_semaphore, #tpu.memory_space<semaphore_mem>>)
      %dma_wait3A = arith.constant 0 : i32
      %dma_wait3A_299 = tpu.memref_slice %arg11[%mul3A_245, %dma_wait3A] : memref<10240x80xf32, #tpu.memory_space<vmem_shared>> -> memref<128x80xf32, #tpu.memory_space<vmem_shared>>
      %dma_wait3A_300 = arith.constant 0 : i32
      %dma_wait3A_301 = tpu.memref_slice %arg11[%mul3A_245, %dma_wait3A_300] : memref<10240x80xf32, #tpu.memory_space<vmem_shared>> -> memref<128x80xf32, #tpu.memory_space<vmem_shared>>
      tpu.wait_dma2 semaphore(%run_scoped3A_295 : memref<!tpu.dma_semaphore, #tpu.memory_space<semaphore_mem>>) src(%arg10 : memref<128x80xf32, #tpu.memory_space<vmem>>) dst(%dma_wait3A_301 : memref<128x80xf32, #tpu.memory_space<vmem_shared>>)
      tpu.yield
    }) : () -> ()
    %mul3A_246 = arith.constant 5 : i32
    %mul3A_247 = arith.muli %arg1, %mul3A_246 : i32
    %add3A_248 = arith.constant 4 : i32
    %add3A_249 = arith.addi %mul3A_247, %add3A_248 : i32
    %mul3A_250 = arith.constant 128 : i32
    %mul3A_251 = arith.muli %add3A_249, %mul3A_250 : i32
    "tpu.region"() ({
      %run_scoped3A_295 = tpu.sem_alloc : memref<!tpu.dma_semaphore, #tpu.memory_space<semaphore_mem>>
      %dma_start3A = arith.constant 0 : i32
      %dma_start3A_296 = tpu.memref_slice %arg11[%mul3A_251, %dma_start3A] : memref<10240x80xf32, #tpu.memory_space<vmem_shared>> -> memref<128x80xf32, #tpu.memory_space<vmem_shared>>
      %dma_start3A_297 = arith.constant 0 : i32
      %dma_start3A_298 = tpu.memref_slice %arg11[%mul3A_251, %dma_start3A_297] : memref<10240x80xf32, #tpu.memory_space<vmem_shared>> -> memref<128x80xf32, #tpu.memory_space<vmem_shared>>
      tpu.enqueue_dma source(%arg10 : memref<128x80xf32, #tpu.memory_space<vmem>>) target(%dma_start3A_298 : memref<128x80xf32, #tpu.memory_space<vmem_shared>>) target_semaphore(%run_scoped3A_295 : memref<!tpu.dma_semaphore, #tpu.memory_space<semaphore_mem>>)
      %dma_wait3A = arith.constant 0 : i32
      %dma_wait3A_299 = tpu.memref_slice %arg11[%mul3A_251, %dma_wait3A] : memref<10240x80xf32, #tpu.memory_space<vmem_shared>> -> memref<128x80xf32, #tpu.memory_space<vmem_shared>>
      %dma_wait3A_300 = arith.constant 0 : i32
      %dma_wait3A_301 = tpu.memref_slice %arg11[%mul3A_251, %dma_wait3A_300] : memref<10240x80xf32, #tpu.memory_space<vmem_shared>> -> memref<128x80xf32, #tpu.memory_space<vmem_shared>>
      tpu.wait_dma2 semaphore(%run_scoped3A_295 : memref<!tpu.dma_semaphore, #tpu.memory_space<semaphore_mem>>) src(%arg10 : memref<128x80xf32, #tpu.memory_space<vmem>>) dst(%dma_wait3A_301 : memref<128x80xf32, #tpu.memory_space<vmem_shared>>)
      tpu.yield
    }) : () -> ()
    %barrier3A_252 = arith.constant 0 : index
    tpu.barrier barrier_id(%barrier3A_252)
    %scan3A_253 = arith.constant 0 : i32
    %scan3A_254 = arith.constant 0 : i32
    %scan3A_255 = arith.constant 80 : i32
    %scan3A_256 = arith.addi %scan3A_254, %scan3A_255 : i32
    %scan3A_257 = arith.constant 1 : i32
    scf.for %scan3A_295 = %scan3A_254 to %scan3A_256 step %scan3A_257  : i32 {
      %dma_start3A = arith.constant 0 : i32
      %dma_start3A_296 = tpu.memref_slice %arg7[%scan3A_295, %dma_start3A] : memref<80x125xi32, #tpu.memory_space<vmem>> -> memref<1x125xi32, #tpu.memory_space<vmem>>
      %dma_start3A_297 = tpu.memref_squeeze %dma_start3A_296 : memref<1x125xi32, #tpu.memory_space<vmem>> -> memref<125xi32, #tpu.memory_space<vmem>>
      %dma_start3A_298 = arith.constant 0 : i32
      %dma_start3A_299 = arith.constant 0 : i32
      %dma_start3A_300 = tpu.memref_slice %arg2[%arg0, %dma_start3A_298, %dma_start3A_299] : memref<2x10000x80xf32, #tpu.memory_space<hbm>> -> memref<1x10000x80xf32, #tpu.memory_space<hbm>>
      %dma_start3A_301 = tpu.memref_squeeze %dma_start3A_300 : memref<1x10000x80xf32, #tpu.memory_space<hbm>> -> memref<10000x80xf32, #tpu.memory_space<hbm>>
      %dma_start3A_302 = arith.constant 0 : i32
      %dma_start3A_303 = arith.constant 0 : i32
      %dma_start3A_304 = tpu.memref_slice %dma_start3A_301[%dma_start3A_302, %dma_start3A_303] : memref<10000x80xf32, #tpu.memory_space<hbm>> -> memref<10000x80xf32, #tpu.memory_space<hbm>>
      tpu.enqueue_indirect_dma source(%dma_start3A_304 : memref<10000x80xf32, #tpu.memory_space<hbm>>) target(%arg9 : memref<125x80xf32, #tpu.memory_space<vmem>>) offsets(%dma_start3A_297 : memref<125xi32, #tpu.memory_space<vmem>>) semaphore(%arg12 : memref<!tpu.dma_semaphore, #tpu.memory_space<semaphore_mem>>)
      %dma_wait3A = arith.constant 0 : i32
      %dma_wait3A_305 = tpu.memref_slice %arg7[%scan3A_295, %dma_wait3A] : memref<80x125xi32, #tpu.memory_space<vmem>> -> memref<1x125xi32, #tpu.memory_space<vmem>>
      %dma_wait3A_306 = tpu.memref_squeeze %dma_wait3A_305 : memref<1x125xi32, #tpu.memory_space<vmem>> -> memref<125xi32, #tpu.memory_space<vmem>>
      %dma_wait3A_307 = arith.constant 0 : i32
      %dma_wait3A_308 = arith.constant 0 : i32
      %dma_wait3A_309 = tpu.memref_slice %arg2[%arg0, %dma_wait3A_307, %dma_wait3A_308] : memref<2x10000x80xf32, #tpu.memory_space<hbm>> -> memref<1x10000x80xf32, #tpu.memory_space<hbm>>
      %dma_wait3A_310 = tpu.memref_squeeze %dma_wait3A_309 : memref<1x10000x80xf32, #tpu.memory_space<hbm>> -> memref<10000x80xf32, #tpu.memory_space<hbm>>
      %dma_wait3A_311 = arith.constant 0 : i32
      %dma_wait3A_312 = arith.constant 0 : i32
      %dma_wait3A_313 = tpu.memref_slice %dma_wait3A_310[%dma_wait3A_311, %dma_wait3A_312] : memref<10000x80xf32, #tpu.memory_space<hbm>> -> memref<10000x80xf32, #tpu.memory_space<hbm>>
      tpu.wait_indirect_dma semaphore(%arg12 : memref<!tpu.dma_semaphore, #tpu.memory_space<semaphore_mem>>) src(%dma_wait3A_313 : memref<10000x80xf32, #tpu.memory_space<hbm>>) dst(%arg9 : memref<125x80xf32, #tpu.memory_space<vmem>>)
      "tpu.region"() ({
        %run_scoped3A_314 = tpu.sem_alloc : memref<!tpu.dma_semaphore, #tpu.memory_space<semaphore_mem>>
        %dma_start3A_315 = arith.constant 0 : i32
        %dma_start3A_316 = tpu.memref_slice %arg8[%scan3A_295, %dma_start3A_315] : memref<80x125xi32, #tpu.memory_space<vmem>> -> memref<1x125xi32, #tpu.memory_space<vmem>>
        %dma_start3A_317 = tpu.memref_squeeze %dma_start3A_316 : memref<1x125xi32, #tpu.memory_space<vmem>> -> memref<125xi32, #tpu.memory_space<vmem>>
        %dma_start3A_318 = arith.constant 0 : i32
        %dma_start3A_319 = arith.constant 0 : i32
        %dma_start3A_320 = tpu.memref_slice %arg11[%dma_start3A_318, %dma_start3A_319] : memref<10240x80xf32, #tpu.memory_space<vmem_shared>> -> memref<10240x80xf32, #tpu.memory_space<vmem_shared>>
        tpu.enqueue_indirect_dma source(%arg9 : memref<125x80xf32, #tpu.memory_space<vmem>>) target(%dma_start3A_320 : memref<10240x80xf32, #tpu.memory_space<vmem_shared>>) offsets(%dma_start3A_317 : memref<125xi32, #tpu.memory_space<vmem>>) semaphore(%run_scoped3A_314 : memref<!tpu.dma_semaphore, #tpu.memory_space<semaphore_mem>>) {add = true}
        %dma_wait3A_321 = arith.constant 0 : i32
        %dma_wait3A_322 = tpu.memref_slice %arg8[%scan3A_295, %dma_wait3A_321] : memref<80x125xi32, #tpu.memory_space<vmem>> -> memref<1x125xi32, #tpu.memory_space<vmem>>
        %dma_wait3A_323 = tpu.memref_squeeze %dma_wait3A_322 : memref<1x125xi32, #tpu.memory_space<vmem>> -> memref<125xi32, #tpu.memory_space<vmem>>
        %dma_wait3A_324 = arith.constant 0 : i32
        %dma_wait3A_325 = arith.constant 0 : i32
        %dma_wait3A_326 = tpu.memref_slice %arg11[%dma_wait3A_324, %dma_wait3A_325] : memref<10240x80xf32, #tpu.memory_space<vmem_shared>> -> memref<10240x80xf32, #tpu.memory_space<vmem_shared>>
        tpu.wait_indirect_dma semaphore(%run_scoped3A_314 : memref<!tpu.dma_semaphore, #tpu.memory_space<semaphore_mem>>) src(%arg9 : memref<125x80xf32, #tpu.memory_space<vmem>>) dst(%dma_wait3A_326 : memref<10240x80xf32, #tpu.memory_space<vmem_shared>>)
        tpu.yield
      }) : () -> ()
    }
    %scan3A_258 = arith.constant 80 : i32
    %barrier3A_259 = arith.constant 0 : index
    tpu.barrier barrier_id(%barrier3A_259)
    %mul3A_260 = arith.constant 5 : i32
    %mul3A_261 = arith.muli %arg1, %mul3A_260 : i32
    %add3A_262 = arith.constant 0 : i32
    %add3A_263 = arith.addi %mul3A_261, %add3A_262 : i32
    %mul3A_264 = arith.constant 128 : i32
    %mul3A_265 = arith.muli %add3A_263, %mul3A_264 : i32
    %run_scoped3A_266 = arith.constant 3 : i32
    "tpu.region"() ({
      %run_scoped3A_295 = tpu.sem_alloc : memref<!tpu.dma_semaphore, #tpu.memory_space<semaphore_mem>>
      %dma_start3A = arith.constant 0 : i32
      %dma_start3A_296 = tpu.memref_slice %arg6[%arg0, %run_scoped3A_266, %mul3A_265, %dma_start3A] : memref<2x4x10240x80xf32, #tpu.memory_space<hbm>> -> memref<1x1x128x80xf32, #tpu.memory_space<hbm>>
      %dma_start3A_297 = tpu.memref_squeeze %dma_start3A_296 : memref<1x1x128x80xf32, #tpu.memory_space<hbm>> -> memref<128x80xf32, #tpu.memory_space<hbm>>
      %dma_start3A_298 = arith.constant 0 : i32
      %dma_start3A_299 = tpu.memref_slice %arg11[%mul3A_265, %dma_start3A_298] : memref<10240x80xf32, #tpu.memory_space<vmem_shared>> -> memref<128x80xf32, #tpu.memory_space<vmem_shared>>
      tpu.enqueue_dma source(%dma_start3A_299 : memref<128x80xf32, #tpu.memory_space<vmem_shared>>) target(%dma_start3A_297 : memref<128x80xf32, #tpu.memory_space<hbm>>) target_semaphore(%run_scoped3A_295 : memref<!tpu.dma_semaphore, #tpu.memory_space<semaphore_mem>>)
      %dma_wait3A = arith.constant 0 : i32
      %dma_wait3A_300 = tpu.memref_slice %arg6[%arg0, %run_scoped3A_266, %mul3A_265, %dma_wait3A] : memref<2x4x10240x80xf32, #tpu.memory_space<hbm>> -> memref<1x1x128x80xf32, #tpu.memory_space<hbm>>
      %dma_wait3A_301 = tpu.memref_squeeze %dma_wait3A_300 : memref<1x1x128x80xf32, #tpu.memory_space<hbm>> -> memref<128x80xf32, #tpu.memory_space<hbm>>
      %dma_wait3A_302 = arith.constant 0 : i32
      %dma_wait3A_303 = tpu.memref_slice %arg11[%mul3A_265, %dma_wait3A_302] : memref<10240x80xf32, #tpu.memory_space<vmem_shared>> -> memref<128x80xf32, #tpu.memory_space<vmem_shared>>
      tpu.wait_dma2 semaphore(%run_scoped3A_295 : memref<!tpu.dma_semaphore, #tpu.memory_space<semaphore_mem>>) src(%dma_wait3A_303 : memref<128x80xf32, #tpu.memory_space<vmem_shared>>) dst(%dma_wait3A_301 : memref<128x80xf32, #tpu.memory_space<hbm>>)
      tpu.yield
    }) : () -> ()
    %mul3A_267 = arith.constant 5 : i32
    %mul3A_268 = arith.muli %arg1, %mul3A_267 : i32
    %add3A_269 = arith.constant 1 : i32
    %add3A_270 = arith.addi %mul3A_268, %add3A_269 : i32
    %mul3A_271 = arith.constant 128 : i32
    %mul3A_272 = arith.muli %add3A_270, %mul3A_271 : i32
    %run_scoped3A_273 = arith.constant 3 : i32
    "tpu.region"() ({
      %run_scoped3A_295 = tpu.sem_alloc : memref<!tpu.dma_semaphore, #tpu.memory_space<semaphore_mem>>
      %dma_start3A = arith.constant 0 : i32
      %dma_start3A_296 = tpu.memref_slice %arg6[%arg0, %run_scoped3A_273, %mul3A_272, %dma_start3A] : memref<2x4x10240x80xf32, #tpu.memory_space<hbm>> -> memref<1x1x128x80xf32, #tpu.memory_space<hbm>>
      %dma_start3A_297 = tpu.memref_squeeze %dma_start3A_296 : memref<1x1x128x80xf32, #tpu.memory_space<hbm>> -> memref<128x80xf32, #tpu.memory_space<hbm>>
      %dma_start3A_298 = arith.constant 0 : i32
      %dma_start3A_299 = tpu.memref_slice %arg11[%mul3A_272, %dma_start3A_298] : memref<10240x80xf32, #tpu.memory_space<vmem_shared>> -> memref<128x80xf32, #tpu.memory_space<vmem_shared>>
      tpu.enqueue_dma source(%dma_start3A_299 : memref<128x80xf32, #tpu.memory_space<vmem_shared>>) target(%dma_start3A_297 : memref<128x80xf32, #tpu.memory_space<hbm>>) target_semaphore(%run_scoped3A_295 : memref<!tpu.dma_semaphore, #tpu.memory_space<semaphore_mem>>)
      %dma_wait3A = arith.constant 0 : i32
      %dma_wait3A_300 = tpu.memref_slice %arg6[%arg0, %run_scoped3A_273, %mul3A_272, %dma_wait3A] : memref<2x4x10240x80xf32, #tpu.memory_space<hbm>> -> memref<1x1x128x80xf32, #tpu.memory_space<hbm>>
      %dma_wait3A_301 = tpu.memref_squeeze %dma_wait3A_300 : memref<1x1x128x80xf32, #tpu.memory_space<hbm>> -> memref<128x80xf32, #tpu.memory_space<hbm>>
      %dma_wait3A_302 = arith.constant 0 : i32
      %dma_wait3A_303 = tpu.memref_slice %arg11[%mul3A_272, %dma_wait3A_302] : memref<10240x80xf32, #tpu.memory_space<vmem_shared>> -> memref<128x80xf32, #tpu.memory_space<vmem_shared>>
      tpu.wait_dma2 semaphore(%run_scoped3A_295 : memref<!tpu.dma_semaphore, #tpu.memory_space<semaphore_mem>>) src(%dma_wait3A_303 : memref<128x80xf32, #tpu.memory_space<vmem_shared>>) dst(%dma_wait3A_301 : memref<128x80xf32, #tpu.memory_space<hbm>>)
      tpu.yield
    }) : () -> ()
    %mul3A_274 = arith.constant 5 : i32
    %mul3A_275 = arith.muli %arg1, %mul3A_274 : i32
    %add3A_276 = arith.constant 2 : i32
    %add3A_277 = arith.addi %mul3A_275, %add3A_276 : i32
    %mul3A_278 = arith.constant 128 : i32
    %mul3A_279 = arith.muli %add3A_277, %mul3A_278 : i32
    %run_scoped3A_280 = arith.constant 3 : i32
    "tpu.region"() ({
      %run_scoped3A_295 = tpu.sem_alloc : memref<!tpu.dma_semaphore, #tpu.memory_space<semaphore_mem>>
      %dma_start3A = arith.constant 0 : i32
      %dma_start3A_296 = tpu.memref_slice %arg6[%arg0, %run_scoped3A_280, %mul3A_279, %dma_start3A] : memref<2x4x10240x80xf32, #tpu.memory_space<hbm>> -> memref<1x1x128x80xf32, #tpu.memory_space<hbm>>
      %dma_start3A_297 = tpu.memref_squeeze %dma_start3A_296 : memref<1x1x128x80xf32, #tpu.memory_space<hbm>> -> memref<128x80xf32, #tpu.memory_space<hbm>>
      %dma_start3A_298 = arith.constant 0 : i32
      %dma_start3A_299 = tpu.memref_slice %arg11[%mul3A_279, %dma_start3A_298] : memref<10240x80xf32, #tpu.memory_space<vmem_shared>> -> memref<128x80xf32, #tpu.memory_space<vmem_shared>>
      tpu.enqueue_dma source(%dma_start3A_299 : memref<128x80xf32, #tpu.memory_space<vmem_shared>>) target(%dma_start3A_297 : memref<128x80xf32, #tpu.memory_space<hbm>>) target_semaphore(%run_scoped3A_295 : memref<!tpu.dma_semaphore, #tpu.memory_space<semaphore_mem>>)
      %dma_wait3A = arith.constant 0 : i32
      %dma_wait3A_300 = tpu.memref_slice %arg6[%arg0, %run_scoped3A_280, %mul3A_279, %dma_wait3A] : memref<2x4x10240x80xf32, #tpu.memory_space<hbm>> -> memref<1x1x128x80xf32, #tpu.memory_space<hbm>>
      %dma_wait3A_301 = tpu.memref_squeeze %dma_wait3A_300 : memref<1x1x128x80xf32, #tpu.memory_space<hbm>> -> memref<128x80xf32, #tpu.memory_space<hbm>>
      %dma_wait3A_302 = arith.constant 0 : i32
      %dma_wait3A_303 = tpu.memref_slice %arg11[%mul3A_279, %dma_wait3A_302] : memref<10240x80xf32, #tpu.memory_space<vmem_shared>> -> memref<128x80xf32, #tpu.memory_space<vmem_shared>>
      tpu.wait_dma2 semaphore(%run_scoped3A_295 : memref<!tpu.dma_semaphore, #tpu.memory_space<semaphore_mem>>) src(%dma_wait3A_303 : memref<128x80xf32, #tpu.memory_space<vmem_shared>>) dst(%dma_wait3A_301 : memref<128x80xf32, #tpu.memory_space<hbm>>)
      tpu.yield
    }) : () -> ()
    %mul3A_281 = arith.constant 5 : i32
    %mul3A_282 = arith.muli %arg1, %mul3A_281 : i32
    %add3A_283 = arith.constant 3 : i32
    %add3A_284 = arith.addi %mul3A_282, %add3A_283 : i32
    %mul3A_285 = arith.constant 128 : i32
    %mul3A_286 = arith.muli %add3A_284, %mul3A_285 : i32
    %run_scoped3A_287 = arith.constant 3 : i32
    "tpu.region"() ({
      %run_scoped3A_295 = tpu.sem_alloc : memref<!tpu.dma_semaphore, #tpu.memory_space<semaphore_mem>>
      %dma_start3A = arith.constant 0 : i32
      %dma_start3A_296 = tpu.memref_slice %arg6[%arg0, %run_scoped3A_287, %mul3A_286, %dma_start3A] : memref<2x4x10240x80xf32, #tpu.memory_space<hbm>> -> memref<1x1x128x80xf32, #tpu.memory_space<hbm>>
      %dma_start3A_297 = tpu.memref_squeeze %dma_start3A_296 : memref<1x1x128x80xf32, #tpu.memory_space<hbm>> -> memref<128x80xf32, #tpu.memory_space<hbm>>
      %dma_start3A_298 = arith.constant 0 : i32
      %dma_start3A_299 = tpu.memref_slice %arg11[%mul3A_286, %dma_start3A_298] : memref<10240x80xf32, #tpu.memory_space<vmem_shared>> -> memref<128x80xf32, #tpu.memory_space<vmem_shared>>
      tpu.enqueue_dma source(%dma_start3A_299 : memref<128x80xf32, #tpu.memory_space<vmem_shared>>) target(%dma_start3A_297 : memref<128x80xf32, #tpu.memory_space<hbm>>) target_semaphore(%run_scoped3A_295 : memref<!tpu.dma_semaphore, #tpu.memory_space<semaphore_mem>>)
      %dma_wait3A = arith.constant 0 : i32
      %dma_wait3A_300 = tpu.memref_slice %arg6[%arg0, %run_scoped3A_287, %mul3A_286, %dma_wait3A] : memref<2x4x10240x80xf32, #tpu.memory_space<hbm>> -> memref<1x1x128x80xf32, #tpu.memory_space<hbm>>
      %dma_wait3A_301 = tpu.memref_squeeze %dma_wait3A_300 : memref<1x1x128x80xf32, #tpu.memory_space<hbm>> -> memref<128x80xf32, #tpu.memory_space<hbm>>
      %dma_wait3A_302 = arith.constant 0 : i32
      %dma_wait3A_303 = tpu.memref_slice %arg11[%mul3A_286, %dma_wait3A_302] : memref<10240x80xf32, #tpu.memory_space<vmem_shared>> -> memref<128x80xf32, #tpu.memory_space<vmem_shared>>
      tpu.wait_dma2 semaphore(%run_scoped3A_295 : memref<!tpu.dma_semaphore, #tpu.memory_space<semaphore_mem>>) src(%dma_wait3A_303 : memref<128x80xf32, #tpu.memory_space<vmem_shared>>) dst(%dma_wait3A_301 : memref<128x80xf32, #tpu.memory_space<hbm>>)
      tpu.yield
    }) : () -> ()
    %mul3A_288 = arith.constant 5 : i32
    %mul3A_289 = arith.muli %arg1, %mul3A_288 : i32
    %add3A_290 = arith.constant 4 : i32
    %add3A_291 = arith.addi %mul3A_289, %add3A_290 : i32
    %mul3A_292 = arith.constant 128 : i32
    %mul3A_293 = arith.muli %add3A_291, %mul3A_292 : i32
    %run_scoped3A_294 = arith.constant 3 : i32
    "tpu.region"() ({
      %run_scoped3A_295 = tpu.sem_alloc : memref<!tpu.dma_semaphore, #tpu.memory_space<semaphore_mem>>
      %dma_start3A = arith.constant 0 : i32
      %dma_start3A_296 = tpu.memref_slice %arg6[%arg0, %run_scoped3A_294, %mul3A_293, %dma_start3A] : memref<2x4x10240x80xf32, #tpu.memory_space<hbm>> -> memref<1x1x128x80xf32, #tpu.memory_space<hbm>>
      %dma_start3A_297 = tpu.memref_squeeze %dma_start3A_296 : memref<1x1x128x80xf32, #tpu.memory_space<hbm>> -> memref<128x80xf32, #tpu.memory_space<hbm>>
      %dma_start3A_298 = arith.constant 0 : i32
      %dma_start3A_299 = tpu.memref_slice %arg11[%mul3A_293, %dma_start3A_298] : memref<10240x80xf32, #tpu.memory_space<vmem_shared>> -> memref<128x80xf32, #tpu.memory_space<vmem_shared>>
      tpu.enqueue_dma source(%dma_start3A_299 : memref<128x80xf32, #tpu.memory_space<vmem_shared>>) target(%dma_start3A_297 : memref<128x80xf32, #tpu.memory_space<hbm>>) target_semaphore(%run_scoped3A_295 : memref<!tpu.dma_semaphore, #tpu.memory_space<semaphore_mem>>)
      %dma_wait3A = arith.constant 0 : i32
      %dma_wait3A_300 = tpu.memref_slice %arg6[%arg0, %run_scoped3A_294, %mul3A_293, %dma_wait3A] : memref<2x4x10240x80xf32, #tpu.memory_space<hbm>> -> memref<1x1x128x80xf32, #tpu.memory_space<hbm>>
      %dma_wait3A_301 = tpu.memref_squeeze %dma_wait3A_300 : memref<1x1x128x80xf32, #tpu.memory_space<hbm>> -> memref<128x80xf32, #tpu.memory_space<hbm>>
      %dma_wait3A_302 = arith.constant 0 : i32
      %dma_wait3A_303 = tpu.memref_slice %arg11[%mul3A_293, %dma_wait3A_302] : memref<10240x80xf32, #tpu.memory_space<vmem_shared>> -> memref<128x80xf32, #tpu.memory_space<vmem_shared>>
      tpu.wait_dma2 semaphore(%run_scoped3A_295 : memref<!tpu.dma_semaphore, #tpu.memory_space<semaphore_mem>>) src(%dma_wait3A_303 : memref<128x80xf32, #tpu.memory_space<vmem_shared>>) dst(%dma_wait3A_301 : memref<128x80xf32, #tpu.memory_space<hbm>>)
      tpu.yield
    }) : () -> ()
    return
  }
}

module attributes {stable_mosaic.version = 14 : i64} {
  func.func @_tc_body(%arg0: i32, %arg1: memref<2x4x1000x80xf32, #tpu.memory_space<vmem>>, %arg2: memref<4x128x128xf32, #tpu.memory_space<vmem>>, %arg3: memref<4x128xf32, #tpu.memory_space<vmem>>, %arg4: memref<1x128xf32, #tpu.memory_space<vmem>>, %arg5: memref<1000x128xf32, #tpu.memory_space<vmem>>) attributes {dimension_semantics = [#tpu.dimension_semantics<arbitrary>], iteration_bounds = array<i64: 10>, scalar_prefetch = 0 : i64, scratch_operands = 0 : i64, tpu.core_type = #tpu.core_type<tc>, window_params = [{transform_indices = @transform_0, window_bounds = array<i64: 2, 4, 1000, 80>}, {pipeline_mode = #tpu.pipeline_mode<synchronous>, transform_indices = @transform_1, window_bounds = array<i64: 4, 128, 128>}, {pipeline_mode = #tpu.pipeline_mode<synchronous>, transform_indices = @transform_2, window_bounds = array<i64: 4, 128>}, {pipeline_mode = #tpu.pipeline_mode<synchronous>, transform_indices = @transform_3, window_bounds = array<i64: 1, 128>}, {transform_indices = @transform_4, window_bounds = array<i64: 1000, 128>}]} {
    %broadcast_in_dim3A = arith.constant 0.000000e+00 : f32
    %broadcast_in_dim3A_0 = vector.broadcast %broadcast_in_dim3A : f32 to vector<1000x128xf32>
    %get3A = arith.constant 0 : index
    %get3A_1 = arith.constant 0 : index
    %get3A_2 = arith.constant 0 : index
    %get3A_3 = arith.constant 64 : index
    %get3A_4 = vector.load %arg1[%get3A, %get3A_1, %get3A_2, %get3A_3] : memref<2x4x1000x80xf32, #tpu.memory_space<vmem>>, vector<1x1x1000x1xf32>
    %get3A_5 = vector.shape_cast %get3A_4 : vector<1x1x1000x1xf32> to vector<1000x1xf32>
    %max3A = arith.constant 1.000000e+00 : f32
    %max3A_6 = vector.broadcast %max3A : f32 to vector<1000x1xf32>
    %max3A_7 = arith.maximumf %get3A_5, %max3A_6 : vector<1000x1xf32>
    %get3A_8 = arith.constant 0 : index
    %get3A_9 = arith.constant 0 : index
    %get3A_10 = arith.constant 0 : index
    %get3A_11 = arith.constant 0 : index
    %get3A_12 = vector.load %arg1[%get3A_8, %get3A_9, %get3A_10, %get3A_11] : memref<2x4x1000x80xf32, #tpu.memory_space<vmem>>, vector<1x1x1000x64xf32>
    %get3A_13 = vector.shape_cast %get3A_12 : vector<1x1x1000x64xf32> to vector<1000x64xf32>
    %div3A = vector.broadcast %max3A_7 : vector<1000x1xf32> to vector<1000x64xf32>
    %div3A_14 = arith.divf %get3A_13, %div3A : vector<1000x64xf32>
    %get3A_15 = arith.constant 1 : index
    %get3A_16 = arith.constant 0 : index
    %get3A_17 = arith.constant 0 : index
    %get3A_18 = arith.constant 0 : index
    %get3A_19 = vector.load %arg1[%get3A_15, %get3A_16, %get3A_17, %get3A_18] : memref<2x4x1000x80xf32, #tpu.memory_space<vmem>>, vector<1x1x1000x64xf32>
    %get3A_20 = vector.shape_cast %get3A_19 : vector<1x1x1000x64xf32> to vector<1000x64xf32>
    %div3A_21 = vector.broadcast %max3A_7 : vector<1000x1xf32> to vector<1000x64xf32>
    %div3A_22 = arith.divf %get3A_20, %div3A_21 : vector<1000x64xf32>
    %get3A_23 = arith.constant 0 : index
    %get3A_24 = arith.constant 0 : index
    %get3A_25 = arith.constant 0 : index
    %get3A_26 = vector.load %arg2[%get3A_23, %get3A_24, %get3A_25] : memref<4x128x128xf32, #tpu.memory_space<vmem>>, vector<1x64x128xf32>
    %get3A_27 = vector.shape_cast %get3A_26 : vector<1x64x128xf32> to vector<64x128xf32>
    %dot_general3A = arith.constant dense<0.000000e+00> : vector<1000x128xf32>
    %dot_general3A_28 = tpu.matmul %div3A_14, %get3A_27, %dot_general3A {dimension_numbers = #tpu.dot_dimension_numbers<[1], [0], [0], [1], [0, 0, 1, 1], [], []>, transpose_lhs_hint = false} : vector<1000x64xf32>, vector<64x128xf32>, vector<1000x128xf32> -> vector<1000x128xf32>
    %add3A = arith.addf %broadcast_in_dim3A_0, %dot_general3A_28 : vector<1000x128xf32>
    %get3A_29 = arith.constant 0 : index
    %get3A_30 = arith.constant 64 : index
    %get3A_31 = arith.constant 0 : index
    %get3A_32 = vector.load %arg2[%get3A_29, %get3A_30, %get3A_31] : memref<4x128x128xf32, #tpu.memory_space<vmem>>, vector<1x64x128xf32>
    %get3A_33 = vector.shape_cast %get3A_32 : vector<1x64x128xf32> to vector<64x128xf32>
    %dot_general3A_34 = arith.constant dense<0.000000e+00> : vector<1000x128xf32>
    %dot_general3A_35 = tpu.matmul %div3A_22, %get3A_33, %dot_general3A_34 {dimension_numbers = #tpu.dot_dimension_numbers<[1], [0], [0], [1], [0, 0, 1, 1], [], []>, transpose_lhs_hint = false} : vector<1000x64xf32>, vector<64x128xf32>, vector<1000x128xf32> -> vector<1000x128xf32>
    %add3A_36 = arith.addf %add3A, %dot_general3A_35 : vector<1000x128xf32>
    %get3A_37 = arith.constant 0 : index
    %get3A_38 = arith.constant 0 : index
    %get3A_39 = vector.load %arg3[%get3A_37, %get3A_38] : memref<4x128xf32, #tpu.memory_space<vmem>>, vector<1x128xf32>
    %get3A_40 = vector.shape_cast %get3A_39 : vector<1x128xf32> to vector<128xf32>
    %broadcast_in_dim3A_41 = vector.shape_cast %get3A_40 : vector<128xf32> to vector<1x128xf32>
    %add3A_42 = vector.broadcast %broadcast_in_dim3A_41 : vector<1x128xf32> to vector<1000x128xf32>
    %add3A_43 = arith.addf %add3A_36, %add3A_42 : vector<1000x128xf32>
    %get3A_44 = arith.constant 0 : index
    %get3A_45 = arith.constant 1 : index
    %get3A_46 = arith.constant 0 : index
    %get3A_47 = arith.constant 64 : index
    %get3A_48 = vector.load %arg1[%get3A_44, %get3A_45, %get3A_46, %get3A_47] : memref<2x4x1000x80xf32, #tpu.memory_space<vmem>>, vector<1x1x1000x1xf32>
    %get3A_49 = vector.shape_cast %get3A_48 : vector<1x1x1000x1xf32> to vector<1000x1xf32>
    %max3A_50 = arith.constant 1.000000e+00 : f32
    %max3A_51 = vector.broadcast %max3A_50 : f32 to vector<1000x1xf32>
    %max3A_52 = arith.maximumf %get3A_49, %max3A_51 : vector<1000x1xf32>
    %get3A_53 = arith.constant 0 : index
    %get3A_54 = arith.constant 1 : index
    %get3A_55 = arith.constant 0 : index
    %get3A_56 = arith.constant 0 : index
    %get3A_57 = vector.load %arg1[%get3A_53, %get3A_54, %get3A_55, %get3A_56] : memref<2x4x1000x80xf32, #tpu.memory_space<vmem>>, vector<1x1x1000x64xf32>
    %get3A_58 = vector.shape_cast %get3A_57 : vector<1x1x1000x64xf32> to vector<1000x64xf32>
    %div3A_59 = vector.broadcast %max3A_52 : vector<1000x1xf32> to vector<1000x64xf32>
    %div3A_60 = arith.divf %get3A_58, %div3A_59 : vector<1000x64xf32>
    %get3A_61 = arith.constant 1 : index
    %get3A_62 = arith.constant 1 : index
    %get3A_63 = arith.constant 0 : index
    %get3A_64 = arith.constant 0 : index
    %get3A_65 = vector.load %arg1[%get3A_61, %get3A_62, %get3A_63, %get3A_64] : memref<2x4x1000x80xf32, #tpu.memory_space<vmem>>, vector<1x1x1000x64xf32>
    %get3A_66 = vector.shape_cast %get3A_65 : vector<1x1x1000x64xf32> to vector<1000x64xf32>
    %div3A_67 = vector.broadcast %max3A_52 : vector<1000x1xf32> to vector<1000x64xf32>
    %div3A_68 = arith.divf %get3A_66, %div3A_67 : vector<1000x64xf32>
    %get3A_69 = arith.constant 1 : index
    %get3A_70 = arith.constant 0 : index
    %get3A_71 = arith.constant 0 : index
    %get3A_72 = vector.load %arg2[%get3A_69, %get3A_70, %get3A_71] : memref<4x128x128xf32, #tpu.memory_space<vmem>>, vector<1x64x128xf32>
    %get3A_73 = vector.shape_cast %get3A_72 : vector<1x64x128xf32> to vector<64x128xf32>
    %dot_general3A_74 = arith.constant dense<0.000000e+00> : vector<1000x128xf32>
    %dot_general3A_75 = tpu.matmul %div3A_60, %get3A_73, %dot_general3A_74 {dimension_numbers = #tpu.dot_dimension_numbers<[1], [0], [0], [1], [0, 0, 1, 1], [], []>, transpose_lhs_hint = false} : vector<1000x64xf32>, vector<64x128xf32>, vector<1000x128xf32> -> vector<1000x128xf32>
    %add3A_76 = arith.addf %add3A_43, %dot_general3A_75 : vector<1000x128xf32>
    %get3A_77 = arith.constant 1 : index
    %get3A_78 = arith.constant 64 : index
    %get3A_79 = arith.constant 0 : index
    %get3A_80 = vector.load %arg2[%get3A_77, %get3A_78, %get3A_79] : memref<4x128x128xf32, #tpu.memory_space<vmem>>, vector<1x64x128xf32>
    %get3A_81 = vector.shape_cast %get3A_80 : vector<1x64x128xf32> to vector<64x128xf32>
    %dot_general3A_82 = arith.constant dense<0.000000e+00> : vector<1000x128xf32>
    %dot_general3A_83 = tpu.matmul %div3A_68, %get3A_81, %dot_general3A_82 {dimension_numbers = #tpu.dot_dimension_numbers<[1], [0], [0], [1], [0, 0, 1, 1], [], []>, transpose_lhs_hint = false} : vector<1000x64xf32>, vector<64x128xf32>, vector<1000x128xf32> -> vector<1000x128xf32>
    %add3A_84 = arith.addf %add3A_76, %dot_general3A_83 : vector<1000x128xf32>
    %get3A_85 = arith.constant 1 : index
    %get3A_86 = arith.constant 0 : index
    %get3A_87 = vector.load %arg3[%get3A_85, %get3A_86] : memref<4x128xf32, #tpu.memory_space<vmem>>, vector<1x128xf32>
    %get3A_88 = vector.shape_cast %get3A_87 : vector<1x128xf32> to vector<128xf32>
    %broadcast_in_dim3A_89 = vector.shape_cast %get3A_88 : vector<128xf32> to vector<1x128xf32>
    %add3A_90 = vector.broadcast %broadcast_in_dim3A_89 : vector<1x128xf32> to vector<1000x128xf32>
    %add3A_91 = arith.addf %add3A_84, %add3A_90 : vector<1000x128xf32>
    %get3A_92 = arith.constant 0 : index
    %get3A_93 = arith.constant 2 : index
    %get3A_94 = arith.constant 0 : index
    %get3A_95 = arith.constant 64 : index
    %get3A_96 = vector.load %arg1[%get3A_92, %get3A_93, %get3A_94, %get3A_95] : memref<2x4x1000x80xf32, #tpu.memory_space<vmem>>, vector<1x1x1000x1xf32>
    %get3A_97 = vector.shape_cast %get3A_96 : vector<1x1x1000x1xf32> to vector<1000x1xf32>
    %max3A_98 = arith.constant 1.000000e+00 : f32
    %max3A_99 = vector.broadcast %max3A_98 : f32 to vector<1000x1xf32>
    %max3A_100 = arith.maximumf %get3A_97, %max3A_99 : vector<1000x1xf32>
    %get3A_101 = arith.constant 0 : index
    %get3A_102 = arith.constant 2 : index
    %get3A_103 = arith.constant 0 : index
    %get3A_104 = arith.constant 0 : index
    %get3A_105 = vector.load %arg1[%get3A_101, %get3A_102, %get3A_103, %get3A_104] : memref<2x4x1000x80xf32, #tpu.memory_space<vmem>>, vector<1x1x1000x64xf32>
    %get3A_106 = vector.shape_cast %get3A_105 : vector<1x1x1000x64xf32> to vector<1000x64xf32>
    %div3A_107 = vector.broadcast %max3A_100 : vector<1000x1xf32> to vector<1000x64xf32>
    %div3A_108 = arith.divf %get3A_106, %div3A_107 : vector<1000x64xf32>
    %get3A_109 = arith.constant 1 : index
    %get3A_110 = arith.constant 2 : index
    %get3A_111 = arith.constant 0 : index
    %get3A_112 = arith.constant 0 : index
    %get3A_113 = vector.load %arg1[%get3A_109, %get3A_110, %get3A_111, %get3A_112] : memref<2x4x1000x80xf32, #tpu.memory_space<vmem>>, vector<1x1x1000x64xf32>
    %get3A_114 = vector.shape_cast %get3A_113 : vector<1x1x1000x64xf32> to vector<1000x64xf32>
    %div3A_115 = vector.broadcast %max3A_100 : vector<1000x1xf32> to vector<1000x64xf32>
    %div3A_116 = arith.divf %get3A_114, %div3A_115 : vector<1000x64xf32>
    %get3A_117 = arith.constant 2 : index
    %get3A_118 = arith.constant 0 : index
    %get3A_119 = arith.constant 0 : index
    %get3A_120 = vector.load %arg2[%get3A_117, %get3A_118, %get3A_119] : memref<4x128x128xf32, #tpu.memory_space<vmem>>, vector<1x64x128xf32>
    %get3A_121 = vector.shape_cast %get3A_120 : vector<1x64x128xf32> to vector<64x128xf32>
    %dot_general3A_122 = arith.constant dense<0.000000e+00> : vector<1000x128xf32>
    %dot_general3A_123 = tpu.matmul %div3A_108, %get3A_121, %dot_general3A_122 {dimension_numbers = #tpu.dot_dimension_numbers<[1], [0], [0], [1], [0, 0, 1, 1], [], []>, transpose_lhs_hint = false} : vector<1000x64xf32>, vector<64x128xf32>, vector<1000x128xf32> -> vector<1000x128xf32>
    %add3A_124 = arith.addf %add3A_91, %dot_general3A_123 : vector<1000x128xf32>
    %get3A_125 = arith.constant 2 : index
    %get3A_126 = arith.constant 64 : index
    %get3A_127 = arith.constant 0 : index
    %get3A_128 = vector.load %arg2[%get3A_125, %get3A_126, %get3A_127] : memref<4x128x128xf32, #tpu.memory_space<vmem>>, vector<1x64x128xf32>
    %get3A_129 = vector.shape_cast %get3A_128 : vector<1x64x128xf32> to vector<64x128xf32>
    %dot_general3A_130 = arith.constant dense<0.000000e+00> : vector<1000x128xf32>
    %dot_general3A_131 = tpu.matmul %div3A_116, %get3A_129, %dot_general3A_130 {dimension_numbers = #tpu.dot_dimension_numbers<[1], [0], [0], [1], [0, 0, 1, 1], [], []>, transpose_lhs_hint = false} : vector<1000x64xf32>, vector<64x128xf32>, vector<1000x128xf32> -> vector<1000x128xf32>
    %add3A_132 = arith.addf %add3A_124, %dot_general3A_131 : vector<1000x128xf32>
    %get3A_133 = arith.constant 2 : index
    %get3A_134 = arith.constant 0 : index
    %get3A_135 = vector.load %arg3[%get3A_133, %get3A_134] : memref<4x128xf32, #tpu.memory_space<vmem>>, vector<1x128xf32>
    %get3A_136 = vector.shape_cast %get3A_135 : vector<1x128xf32> to vector<128xf32>
    %broadcast_in_dim3A_137 = vector.shape_cast %get3A_136 : vector<128xf32> to vector<1x128xf32>
    %add3A_138 = vector.broadcast %broadcast_in_dim3A_137 : vector<1x128xf32> to vector<1000x128xf32>
    %add3A_139 = arith.addf %add3A_132, %add3A_138 : vector<1000x128xf32>
    %get3A_140 = arith.constant 0 : index
    %get3A_141 = arith.constant 3 : index
    %get3A_142 = arith.constant 0 : index
    %get3A_143 = arith.constant 64 : index
    %get3A_144 = vector.load %arg1[%get3A_140, %get3A_141, %get3A_142, %get3A_143] : memref<2x4x1000x80xf32, #tpu.memory_space<vmem>>, vector<1x1x1000x1xf32>
    %get3A_145 = vector.shape_cast %get3A_144 : vector<1x1x1000x1xf32> to vector<1000x1xf32>
    %max3A_146 = arith.constant 1.000000e+00 : f32
    %max3A_147 = vector.broadcast %max3A_146 : f32 to vector<1000x1xf32>
    %max3A_148 = arith.maximumf %get3A_145, %max3A_147 : vector<1000x1xf32>
    %get3A_149 = arith.constant 0 : index
    %get3A_150 = arith.constant 3 : index
    %get3A_151 = arith.constant 0 : index
    %get3A_152 = arith.constant 0 : index
    %get3A_153 = vector.load %arg1[%get3A_149, %get3A_150, %get3A_151, %get3A_152] : memref<2x4x1000x80xf32, #tpu.memory_space<vmem>>, vector<1x1x1000x64xf32>
    %get3A_154 = vector.shape_cast %get3A_153 : vector<1x1x1000x64xf32> to vector<1000x64xf32>
    %div3A_155 = vector.broadcast %max3A_148 : vector<1000x1xf32> to vector<1000x64xf32>
    %div3A_156 = arith.divf %get3A_154, %div3A_155 : vector<1000x64xf32>
    %get3A_157 = arith.constant 1 : index
    %get3A_158 = arith.constant 3 : index
    %get3A_159 = arith.constant 0 : index
    %get3A_160 = arith.constant 0 : index
    %get3A_161 = vector.load %arg1[%get3A_157, %get3A_158, %get3A_159, %get3A_160] : memref<2x4x1000x80xf32, #tpu.memory_space<vmem>>, vector<1x1x1000x64xf32>
    %get3A_162 = vector.shape_cast %get3A_161 : vector<1x1x1000x64xf32> to vector<1000x64xf32>
    %div3A_163 = vector.broadcast %max3A_148 : vector<1000x1xf32> to vector<1000x64xf32>
    %div3A_164 = arith.divf %get3A_162, %div3A_163 : vector<1000x64xf32>
    %get3A_165 = arith.constant 3 : index
    %get3A_166 = arith.constant 0 : index
    %get3A_167 = arith.constant 0 : index
    %get3A_168 = vector.load %arg2[%get3A_165, %get3A_166, %get3A_167] : memref<4x128x128xf32, #tpu.memory_space<vmem>>, vector<1x64x128xf32>
    %get3A_169 = vector.shape_cast %get3A_168 : vector<1x64x128xf32> to vector<64x128xf32>
    %dot_general3A_170 = arith.constant dense<0.000000e+00> : vector<1000x128xf32>
    %dot_general3A_171 = tpu.matmul %div3A_156, %get3A_169, %dot_general3A_170 {dimension_numbers = #tpu.dot_dimension_numbers<[1], [0], [0], [1], [0, 0, 1, 1], [], []>, transpose_lhs_hint = false} : vector<1000x64xf32>, vector<64x128xf32>, vector<1000x128xf32> -> vector<1000x128xf32>
    %add3A_172 = arith.addf %add3A_139, %dot_general3A_171 : vector<1000x128xf32>
    %get3A_173 = arith.constant 3 : index
    %get3A_174 = arith.constant 64 : index
    %get3A_175 = arith.constant 0 : index
    %get3A_176 = vector.load %arg2[%get3A_173, %get3A_174, %get3A_175] : memref<4x128x128xf32, #tpu.memory_space<vmem>>, vector<1x64x128xf32>
    %get3A_177 = vector.shape_cast %get3A_176 : vector<1x64x128xf32> to vector<64x128xf32>
    %dot_general3A_178 = arith.constant dense<0.000000e+00> : vector<1000x128xf32>
    %dot_general3A_179 = tpu.matmul %div3A_164, %get3A_177, %dot_general3A_178 {dimension_numbers = #tpu.dot_dimension_numbers<[1], [0], [0], [1], [0, 0, 1, 1], [], []>, transpose_lhs_hint = false} : vector<1000x64xf32>, vector<64x128xf32>, vector<1000x128xf32> -> vector<1000x128xf32>
    %add3A_180 = arith.addf %add3A_172, %dot_general3A_179 : vector<1000x128xf32>
    %get3A_181 = arith.constant 3 : index
    %get3A_182 = arith.constant 0 : index
    %get3A_183 = vector.load %arg3[%get3A_181, %get3A_182] : memref<4x128xf32, #tpu.memory_space<vmem>>, vector<1x128xf32>
    %get3A_184 = vector.shape_cast %get3A_183 : vector<1x128xf32> to vector<128xf32>
    %broadcast_in_dim3A_185 = vector.shape_cast %get3A_184 : vector<128xf32> to vector<1x128xf32>
    %add3A_186 = vector.broadcast %broadcast_in_dim3A_185 : vector<1x128xf32> to vector<1000x128xf32>
    %add3A_187 = arith.addf %add3A_180, %add3A_186 : vector<1000x128xf32>
    %mul3A = arith.constant 2.500000e-01 : f32
    %mul3A_188 = vector.broadcast %mul3A : f32 to vector<1000x128xf32>
    %mul3A_189 = arith.mulf %add3A_187, %mul3A_188 : vector<1000x128xf32>
    %logistic3A = arith.negf %mul3A_189 : vector<1000x128xf32>
    %logistic3A_190 = math.exp %logistic3A : vector<1000x128xf32>
    %logistic3A_191 = arith.constant 1.000000e+00 : f32
    %logistic3A_192 = vector.broadcast %logistic3A_191 : f32 to vector<1000x128xf32>
    %logistic3A_193 = arith.addf %logistic3A_192, %logistic3A_190 : vector<1000x128xf32>
    %logistic3A_194 = arith.divf %logistic3A_192, %logistic3A_193 : vector<1000x128xf32>
    %mul3A_195 = arith.mulf %mul3A_189, %logistic3A_194 : vector<1000x128xf32>
    %get3A_196 = arith.constant 0 : index
    %get3A_197 = arith.constant 0 : index
    %get3A_198 = vector.load %arg4[%get3A_196, %get3A_197] : memref<1x128xf32, #tpu.memory_space<vmem>>, vector<1x128xf32>
    %get3A_199 = vector.shape_cast %get3A_198 : vector<1x128xf32> to vector<128xf32>
    %broadcast_in_dim3A_200 = vector.shape_cast %get3A_199 : vector<128xf32> to vector<1x128xf32>
    %add3A_201 = vector.broadcast %broadcast_in_dim3A_200 : vector<1x128xf32> to vector<1000x128xf32>
    %add3A_202 = arith.addf %mul3A_195, %add3A_201 : vector<1000x128xf32>
    %swap3A = arith.constant 0 : index
    %swap3A_203 = arith.constant 0 : index
    %swap3A_204 = vector.load %arg5[%swap3A, %swap3A_203] : memref<1000x128xf32, #tpu.memory_space<vmem>>, vector<1000x128xf32>
    tpu.vector_store %arg5[%swap3A, %swap3A_203], %add3A_202 {strides = array<i32>} : memref<1000x128xf32, #tpu.memory_space<vmem>>, vector<1000x128xf32>,
    return
  }
  func.func @transform_0(%arg0: i32) -> (i32, i32, i32, i32) {
    %c0_i32 = arith.constant 0 : i32
    %c0_i32_0 = arith.constant 0 : i32
    %c0_i32_1 = arith.constant 0 : i32
    %c0_i32_2 = arith.constant 0 : i32
    return %c0_i32, %c0_i32_0, %arg0, %c0_i32_1 : i32, i32, i32, i32
  }
  func.func @transform_1(%arg0: i32) -> (i32, i32, i32) {
    %c0_i32 = arith.constant 0 : i32
    %c0_i32_0 = arith.constant 0 : i32
    %c0_i32_1 = arith.constant 0 : i32
    %c0_i32_2 = arith.constant 0 : i32
    return %c0_i32, %c0_i32_0, %c0_i32_1 : i32, i32, i32
  }
  func.func @transform_2(%arg0: i32) -> (i32, i32) {
    %c0_i32 = arith.constant 0 : i32
    %c0_i32_0 = arith.constant 0 : i32
    %c0_i32_1 = arith.constant 0 : i32
    return %c0_i32, %c0_i32_0 : i32, i32
  }
  func.func @transform_3(%arg0: i32) -> (i32, i32) {
    %c0_i32 = arith.constant 0 : i32
    %c0_i32_0 = arith.constant 0 : i32
    %c0_i32_1 = arith.constant 0 : i32
    return %c0_i32, %c0_i32_0 : i32, i32
  }
  func.func @transform_4(%arg0: i32) -> (i32, i32) {
    %c0_i32 = arith.constant 0 : i32
    %c0_i32_0 = arith.constant 0 : i32
    return %arg0, %c0_i32 : i32, i32
  }
}

</mosaic_0001>

<sc_bundles>
// kernel: kernel.4.cloned.1.call-start
scs
__scs_entry_jumppad:
0x0: {  	(pc) =	sbr.rel $0x88, $3  }
0x1: {  	(tag) =	ssettag $0x0;
	lr =	simm.s32 $0x1  }
0x2: {  	[smem:$0x3F9C] =	sst lr;
	_ =	strace $0xD0000000  }
0x3: {  	_ = 	snop  }
0x4: {  	_ = 	snop  }
0x5: {  	_ = 	snop  }
0x6: {  	_ = 	snop  }
0x7: {  	_ = 	snop  }
__scs_overlays_trampoline_lowered:
0x8: {  	[smem:$0x3FAB] =	sst s0  }
0x9: {  	[smem:$0x3FAC] =	sst s1  }
0xa: {  	[smem:$0x3FAD] =	sst s2  }
0xb: {  	[smem:$0x3FAE] =	sst s3  }
0xc: {  	[smem:$0x3FAF] =	sst s4  }
0xd: {  	[smem:$0x3FB0] =	sst s5  }
0xe: {  	[smem:$0x3FB1] =	sst s6  }
0xf: {  	[smem:$0x3FB2] =	sst s7  }
0x10: {  	[smem:$0x3FB3] =	sst s8  }
0x11: {  	[smem:$0x3FB4] =	sst s9;
	s0 =	simm.s32 @!p0 $0x0  }
0x12: {  	s1 =	sld [smem:$0x3F9A];
	s0 =	simm.s32 @p0 $0x1  }
0x13: {  	[smem:$0x3FB5] =	sst s0;
	s0 =	simm.s32 @!p1 $0x0  }
0x14: {  	s2 =	sld [smem:$0x3F99];
	s0 =	simm.s32 @p1 $0x1  }
0x15: {  	[smem:$0x3FB6] =	sst s0;
	s0 =	simm.s32 @!p2 $0x0  }
0x16: {  	s3 =	sld [smem:$0x3FDB];
	s0 =	simm.s32 @p2 $0x1  }
0x17: {  	s4 =	simm.s32 $0x1BF5;
	[smem:$0x3FB8] =	sst s0  }
0x18: {  	s0 =	sld [smem:$0x3F9B];
	_ =	swait.ge [sflag:s4], $0x0  }
0x19: {  	s7 =	sld [smem:$0x3F9C]  }
0x1a: {  	s8 =	sadd.s32 $0xFFFFE003, lr  }
0x1b: {  	s9 =	sadd.s32 $0xFFFFFEF7, lr;
	s5 =	simm.s32 $0xFFFFFFFF;
	p2 =	slt.u32 s8, $0xFFFFF086  }
0x1c: {  	p1 =	slt.u32 s9, $0xF7A;
	s5 =	simm.s32 @!p2 $0x0  }
0x1d: {  	s5 =	simm.s32 @p1 $0x1;
	p0 =	seq.s32 s7, s2  }
0x1e: {  	s7 =	smul.u32 @!p0 $0xF7A, s2;
	p2 =	seq.s32 @!p0 s5, $0x0  }
0x1f: {  	s9 =	smul.u32 $0xF7A, s1;
	s8 =	simm.s32 @!p0 $0x1BF5;
	p2 =	por !p2, p0  }
0x20: {  	[sflag:s8] =	ssyncset.s32 @!p0 $0xFFFFF086;
	s6 =	sadd.s32 @!p0 s3, s7;
	s7 =	simm.s32 @!p0 $0x108  }
0x21: {  	s3 =	sadd.s32 s3, s9;
	s6 =	sadd.s32 @!p0 $0x88, s6;
	s7 =	simm.s32 @p2 $0x1082  }
0x22: {  	[simem:s7], [sflag:s8] =	dma.local @!p0 [hbm:s6], $0xF7A  }
0x23: {  	s9 =	sor.u32 $0xD0000000, s2;
	s6 =	simm.s32 $0x108;
	_ =	swait.ge @!p0 [sflag:s8], $0x0  }
0x24: {  	s3 =	sadd.s32 $0x88, s3;
	s6 =	simm.s32 @!p1 $0x1082;
	[sflag:s4] =	ssyncset.s32 $0xFFFFF086  }
0x25: {  	[simem:s6], [sflag:s4] =	dma.local [hbm:s3], $0xF7A  }
0x26: {  	[smem:$0x3F9C] =	sst s1;
	(tag) =	ssettag s2;
	_ =	strace s9  }
0x27: {  	s1 =	sld [smem:$0x3FAC]  }
0x28: {  	s2 =	sld [smem:$0x3FAD]  }
0x29: {  	s4 =	sld [smem:$0x3FAF]  }
0x2a: {  	p0 =	seq.s32 s5, $0x0;
	s5 =	sld [smem:$0x3FB0]  }
0x2b: {  	s6 =	sld [smem:$0x3FB1]  }
0x2c: {  	s7 =	sld [smem:$0x3FB2]  }
0x2d: {  	s3 =	simm.s32 $0x108;
	s8 =	sld [smem:$0x3FB3]  }
0x2e: {  	s3 =	simm.s32 @!p0 $0x1082;
	s9 =	sld [smem:$0x3FB4]  }
0x2f: {  	lr =	sadd.s32 s0, s3;
	s0 =	sld [smem:$0x3FAB]  }
0x30: {  	s3 =	sld [smem:$0x3FAE]  }
0x31: {  	[smem:$0x3FB7] =	sst s10  }
0x32: {  	s10 =	sld [smem:$0x3FB5];
	_ =	sdelay $0x3  }
0x33: {  	p0 =	seq.s32 s10, $0x1;
	s10 =	sld [smem:$0x3FB7];
	_ =	sdelay $0x3  }
0x34: {  	[smem:$0x3FB7] =	sst s10  }
0x35: {  	s10 =	sld [smem:$0x3FB6];
	_ =	sdelay $0x3  }
0x36: {  	p1 =	seq.s32 s10, $0x1;
	s10 =	sld [smem:$0x3FB7];
	_ =	sdelay $0x3  }
0x37: {  	[smem:$0x3FB7] =	sst s10  }
0x38: {  	s10 =	sld [smem:$0x3FB8]  }
0x39: {  	_ = 	snop;
	(pc) =	sbr.ind lr, $3  }
0x3a: {  	_ = 	snop  }
0x3b: {  	_ = 	snop  }
0x3c: {  	p2 =	seq.s32 s10, $0x1;
	s10 =	sld [smem:$0x3FB7]  }
0x3d: {  	_ =	shalt  }
0x3e: {  	_ =	shalt  }
0x3f: {  	_ =	shalt  }
0x40: {  	_ =	shalt  }
0x41: {  	_ =	shalt  }
0x42: {  	_ =	shalt  }
0x43: {  	_ =	shalt  }
0x44: {  	_ =	shalt  }
0x45: {  	_ =	shalt  }
0x46: {  	_ =	shalt  }
0x47: {  	_ =	shalt  }
0x48: {  	_ =	shalt  }
0x49: {  	_ =	shalt  }
0x4a: {  	_ =	shalt  }
0x4b: {  	_ =	shalt  }
0x4c: {  	_ =	shalt  }
0x4d: {  	_ =	shalt  }
0x4e: {  	_ =	shalt  }
0x4f: {  	_ =	shalt  }
0x50: {  	_ =	shalt  }
0x51: {  	_ =	shalt  }
0x52: {  	_ =	shalt  }
0x53: {  	_ =	shalt  }
0x54: {  	_ =	shalt  }
0x55: {  	_ =	shalt  }
0x56: {  	_ =	shalt  }
0x57: {  	_ =	shalt  }
0x58: {  	_ =	shalt  }
0x59: {  	_ =	shalt  }
0x5a: {  	_ =	shalt  }
0x5b: {  	_ =	shalt  }
0x5c: {  	_ =	shalt  }
0x5d: {  	_ =	shalt  }
0x5e: {  	_ =	shalt  }
0x5f: {  	_ =	shalt  }
0x60: {  	_ =	shalt  }
0x61: {  	_ =	shalt  }
0x62: {  	_ =	shalt  }
0x63: {  	_ =	shalt  }
0x64: {  	_ =	shalt  }
0x65: {  	_ =	shalt  }
0x66: {  	_ =	shalt  }
0x67: {  	_ =	shalt  }
0x68: {  	_ =	shalt  }
0x69: {  	_ =	shalt  }
0x6a: {  	_ =	shalt  }
0x6b: {  	_ =	shalt  }
0x6c: {  	_ =	shalt  }
0x6d: {  	_ =	shalt  }
0x6e: {  	_ =	shalt  }
0x6f: {  	_ =	shalt  }
0x70: {  	_ =	shalt  }
0x71: {  	_ =	shalt  }
0x72: {  	_ =	shalt  }
0x73: {  	_ =	shalt  }
0x74: {  	_ =	shalt  }
0x75: {  	_ =	shalt  }
0x76: {  	_ =	shalt  }
0x77: {  	_ =	shalt  }
0x78: {  	_ =	shalt  }
0x79: {  	_ =	shalt  }
0x7a: {  	_ =	shalt  }
0x7b: {  	_ =	shalt  }
0x7c: {  	_ =	shalt  }
0x7d: {  	_ =	shalt  }
0x7e: {  	_ =	shalt  }
0x7f: {  	_ =	shalt  }
0x80: {  	_ =	shalt  }
0x81: {  	_ =	shalt  }
0x82: {  	_ =	shalt  }
0x83: {  	_ =	shalt  }
0x84: {  	_ =	shalt  }
0x85: {  	_ =	shalt  }
0x86: {  	_ =	shalt  }
0x87: {  	_ =	shalt  }
.Lfunc_end0:
.L_simem_size_0:
called_computation_lowered:
.L_overlay_start_0:
0x88: {  	s2 =	sld [smem:$0x3FD9]  }
0x89: {  	s3 =	sld [smem:$0x3FFE];
	_ =	sdelay $0x1  }
0x8a: {  	s1 =	srdreg.scid  }
0x8b: {  	s0 =	sand.u32 $0x1, s1  }
0x8c: {  	s17 =	sshll.u32 s0, $0xA;
	s2 =	sadd.s32 s3, s2  }
0x8d: {  	s2 =	sadd.s32 s2, s17  }
0x8e: {  	[smem:$0x3FC3] =	sst s2  }
0x8f: {  	_ = 	snop  }
0x90: {  	s2 =	sld [smem:$0x3FD0];
	(tm) =	ssettm $0x1  }
0x91: {  	s18 =	sld [smem:$0x3FFB];
	_ =	sdelay $0x3  }
0x92: {  	_ =	strace s18  }
0x93: {  	s3 =	sld [smem:$0x3FFC];
	_ =	sdelay $0x3  }
0x94: {  	_ =	strace s3  }
0x95: {  	s3 =	sld [smem:$0x3FFD];
	_ =	sdelay $0x3  }
0x96: {  	_ =	strace s3  }
0x97: {  	_ =	strace $0x8FFFFFFF  }
0x98: {  	s19 =	sld [smem:$0x3FDB];
	_ =	sdelay $0x1  }
0x99: {  	s4 =	simm.s32 $_scs_section_size  }
0x9a: {  	s5 =	simm.s32 $_size__tile_overlayer_lowered;
	s6 =	simm.s32 $_tile_overlayer_lowered  }
0x9b: {  	s22 =	simm.s32 $0x1BFF;
	s21 =	sshll.u32 s6, $0x1;
	s3 =	sadd.s32 s4, s19  }
0x9c: {  	s7 =	simm.s32 $0x0;
	s20 =	sshll.u32 s5, $0x1;
	s5 =	sadd.s32 s21, s3  }
0x9d: {  	[timem:s7], [sflag:s22] =	dma.local [hbm:s5], s20  }
0x9e: {  	_ =	swait.ge [sflag:s22], s20  }
0x9f: {  	s4 =	ssub.s32 $0x0, s20;
	[sflag:s22] =	ssyncset.done $0x0  }
0xa0: {  	[sflag:s22] =	ssyncadd.s32 s4;
	_ =	sdelay $0x1  }
0xa1: {  	s23 =	simm.s32 $0x1B8B  }
0xa2: {  	_ =	swait.ge [sflag:s23], $0x1  }
0xa3: {  	[sflag:s23] =	ssyncset.done $0x0  }
0xa4: {  	s25 =	simm.s32 $0x1B8E;
	s24 =	sld [smem:$0x3FFE];
	[sflag:s23] =	ssyncadd.s32 $0xFFFFFFFF  }
0xa5: {  	s26 =	simm.s32 $execute0_lowered;
	[smem:$0x3FD2] =	sst s25  }
0xa6: {  	s5 =	sshll.u32 s26, $0x1;
	_ =	strace $0x80000046;
	[dreg:$0x1] =	wrdreg $0xFFFFFFFF  }
0xa7: {  	s28 =	simm.s32 $_size_execute0_lowered;
	s3 =	sadd.s32 s3, s5;
	[dreg:$0x0] =	wrdreg $0x0  }
0xa8: {  	s5 =	sshll.u32 s28, $0x1;
	[dreg:$0x2] =	wrdreg s3  }
0xa9: {  	[dreg:$0x3] =	wrdreg s5  }
0xaa: {  	[dreg:$0x4] =	wrdreg $0xC0  }
0xab: {  	_ =	task [dreg:s7], $0x5FFFF  }
0xac: {  	[dreg:$0x1] =	wrdreg $0xFFFFFFFF  }
0xad: {  	[dreg:$0x0] =	wrdreg $0x60  }
0xae: {  	[dreg:$0x2] =	wrdreg s24  }
0xaf: {  	[dreg:$0x3] =	wrdreg s2  }
0xb0: {  	[dreg:$0x4] =	wrdreg $0x9F100  }
0xb1: {  	[dreg:$0x5] =	wrdreg $0x9  }
0xb2: {  	_ =	task.clear_ibuf [dreg:s7], $0x6FFFF;
	_ =	strace $0x90000046  }
0xb3: {  	s29 =	simm.s32 $0x9;
	_ =	strace $0x80000048  }
0xb4: {  	_ =	swait.ge [sflag:s29], $0x1  }
0xb5: {  	[sflag:s29] =	ssyncadd.s32 $0xFFFFFFFF  }
0xb6: {  	_ =	strace $0x90000048  }
0xb7: {  	_ =	sfence  }
0xb8: {  	s30 =	sld [smem:$0x0];
	_ =	sdelay $0x2  }
0xb9: {  	s31 =	sshll.u32 s1, $0xD;
	s1 =	sshrl.u32 s1, $0x2  }
0xba: {  	s3 =	sand.u32 $0x4000, s31;
	s1 =	sadd.s32 s1, s30  }
0xbb: {  	s0 =	sor.u32 s3, s0;
	s1 =	sshll.u32 s1, $0x11  }
0xbc: {  	s0 =	sor.u32 s1, s0  }
0xbd: {  	s0 =	sadd.s32 $0x8F2B, s0  }
0xbe: {  	[sflag:s0] =	ssyncadd.remote.s32 $0x1  }
0xbf: {  	_ =	sfence.sel $0xFFFF  }
0xc0: {  	[dreg:$0x0] =	wrdreg $0xFFFFFFFF;
	(pc) =	sbr.abs _section_cstart, $3  }
0xc1: {  	[dreg:$0x1] =	wrdreg $0xFFFFFFFF  }
0xc2: {  	_ =	task.clear_ibuf [dreg:s7], $0x2FFFF;
	_ =	strace $0x9FFFFFFF  }
0xc3: {  	(tm) =	ssettm $0x7FFFFFFF  }
tec
execute0_lowered:
.L_overlay_start_1:
0x0: {  	(tag) =	ssettag $0x1  }
0x1: {  	s0 =	rddreg [dreg:$0x0]  }
0x2: {  	s3 =	rddreg [dreg:$0x1]  }
0x3: {  	s2 =	srdreg.scid;
	s10 =	stileid.u32  }
0x4: {  	s1 =	rddreg [dreg:$0x2];
	s4 =	sand.u32 $0x1, s2;
	s8 =	smul.u32 $0x2800, s10  }
0x5: {  	s2 =	simm.s32 $0x0;
	s6 =	sadd.s32 $0x31E00, s0;
	s13 =	smul.u32 $0xC800, s10  }
0x6: {  	s9 =	sadd.s32 $0x45E00, s0;
	s5 =	smul.u32 $0x186A0, s4;
	[smem:$0x7FF] =	sst s2  }
0x7: {  	s7 =	ssub.s32 $0x2, s4;
	s4 =	smul.u32 $0x320000, s4;
	_ =	strace $0x80000047  }
0x8: {  	[dreg:$0x4] =	wrdreg s9;
	s31 =	sshrl.u32 s7, $0x1;
	s19 =	sshrl.u32 s8, $0x3  }
0x9: {  	s14 =	sadd.s32 $0x2800, s13;
	s15 =	sadd.s32 $0x5000, s13;
	s16 =	sadd.s32 $0x7800, s13  }
0xa: {  	s17 =	sadd.s32 $0xA000, s13;
	s5 =	sadd.s32 s5, s0;
	s0 =	sadd.s32 $0x46400, s0  }
0xb: {  	s18 =	ssub.s32 s7, s31;
	s11 =	sadd.s32 s3, s19;
	s12 =	sadd.s32 s6, s19  }
0xc: {  	s7 =	sadd.s32 s13, s1;
	s8 =	sadd.s32 s14, s1;
	s9 =	sadd.s32 s15, s1  }
0xd: {  	s10 =	sadd.s32 s16, s1;
	s13 =	sadd.s32 s13, s4;
	s14 =	sadd.s32 s4, s14  }
0xe: {  	s15 =	sadd.s32 s4, s15;
	s21 =	sadd.s32 s4, s16;
	s4 =	sadd.s32 s4, s17  }
0xf: {  	s24 =	sadd.s32 $0xA000, s19;
	s25 =	sadd.s32 $0xF000, s19;
	[dreg:$0x5] =	wrdreg s11  }
0x10: {  	[dreg:$0x6] =	wrdreg s12;
	s11 =	sadd.s32 s17, s1;
	s12 =	sadd.s32 $0x1000, s5  }
0x11: {  	s5 =	sshrl.u32 s13, $0x3;
	s14 =	sshrl.u32 s14, $0x3;
	s20 =	sshrl.u32 s15, $0x3  }
0x12: {  	s4 =	sshrl.u32 s4, $0x3;
	s26 =	sadd.s32 s3, s24;
	s30 =	sadd.s32 s3, s25  }
0x13: {  	s31 =	sadd.s32 s6, s25;
	s13 =	sadd.s32 s0, s5;
	[dreg:$0x9] =	wrdreg s26  }
0x14: {  	s15 =	sadd.s32 s0, s20;
	s20 =	sadd.s32 $0x5000, s19;
	[dreg:$0xb] =	wrdreg s30  }
0x15: {  	s17 =	sadd.s32 s0, s4;
	[dreg:$0xc] =	wrdreg s31;
	s4 =	smax.u32 s18, $0x1  }
0x16: {  	s14 =	sadd.s32 s0, s14;
	s22 =	sadd.s32 s3, s20;
	[dreg:$0xe] =	wrdreg s4  }
0x17: {  	s5 =	sshrl.u32 s21, $0x3;
	s23 =	sadd.s32 s6, s20;
	[dreg:$0x7] =	wrdreg s22  }
0x18: {  	s16 =	sadd.s32 s0, s5;
	s0 =	sadd.s32 s6, s24;
	[dreg:$0x8] =	wrdreg s23  }
0x19: {  	s3 =	sadd.s32 $0x19000, s13;
	[dreg:$0xa] =	wrdreg s0  }
0x1a: {  	s5 =	sadd.s32 $0x19000, s14;
	[dreg:$0xd] =	wrdreg s3  }
0x1b: {  	s6 =	sadd.s32 $0x19000, s15;
	[dreg:$0xf] =	wrdreg s5  }
0x1c: {  	s19 =	sadd.s32 $0x19000, s17;
	[dreg:$0x10] =	wrdreg s6  }
0x1d: {  	s20 =	sadd.s32 $0x32000, s13;
	[dreg:$0x12] =	wrdreg s19  }
0x1e: {  	s21 =	sadd.s32 $0x32000, s14;
	[dreg:$0x13] =	wrdreg s20  }
0x1f: {  	s24 =	sadd.s32 $0x32000, s17;
	[dreg:$0x14] =	wrdreg s21  }
0x20: {  	s25 =	sadd.s32 $0x4B000, s13;
	[dreg:$0x17] =	wrdreg s24  }
0x21: {  	s28 =	simm.s32 $0x1;
	s26 =	sadd.s32 $0x4B000, s14;
	[dreg:$0x18] =	wrdreg s25  }
0x22: {  	s29 =	simm.s32 $0x0;
	s30 =	sadd.s32 $0x4B000, s15;
	[dreg:$0x19] =	wrdreg s26  }
0x23: {  	s18 =	sadd.s32 $0x19000, s16;
	s22 =	sadd.s32 $0x32000, s15;
	[dreg:$0x1a] =	wrdreg s30  }
0x24: {  	s23 =	sadd.s32 $0x32000, s16;
	s31 =	sadd.s32 $0x4B000, s16;
	[dreg:$0x11] =	wrdreg s18  }
0x25: {  	s21 =	sadd.s32 $0x4B000, s17;
	s24 =	simm.s32 $0x2800;
	[dreg:$0x15] =	wrdreg s22  }
0x26: {  	s25 =	simm.s32 $0x7D;
	s26 =	simm.s32 $0x5000;
	[dreg:$0x16] =	wrdreg s23  }
0x27: {  	[dreg:$0x1b] =	wrdreg s31;
	s22 =	simm.s32 $0x7710;
	s23 =	simm.s32 $0x2  }
.LBB2_1:
0x28: {  	s0 =	rddreg [dreg:$0x4]  }
0x29: {  	[tilespmem:s22], [sflag:$0x2] =	stream.linear.gather [hbm4b:s0+s2], $0x2800, $0x38;
	[tilespmem:$0x16710] =	vst v63  }
0x2a: {  	_ =	swait.ge [sflag:s23], $0x2800  }
0x2b: {  	[sflag:s23] =	ssyncset.done $0x0  }
0x2c: {  	s19 =	rddreg [dreg:$0x5];
	[sflag:s23] =	ssyncadd.s32 $0xFFFFD800  }
0x2d: {  	[tilespmem:s2], [sflag:$0x2] =	stream.linear.gather [hbm4b:s19+s2], $0x2800, $0x38;
	[tilespmem:$0x16710] =	vst v63  }
0x2e: {  	_ =	swait.ge [sflag:s23], $0x2800  }
0x2f: {  	[sflag:s23] =	ssyncset.done $0x0  }
0x30: {  	s20 =	rddreg [dreg:$0x6];
	[sflag:s23] =	ssyncadd.s32 $0xFFFFD800  }
0x31: {  	[tilespmem:s24], [sflag:$0x2] =	stream.linear.gather [hbm4b:s20+s2], $0x2800, $0x38;
	[tilespmem:$0x16710] =	vst v63  }
0x32: {  	_ =	swait.ge [sflag:s23], $0x2800  }
0x33: {  	[sflag:s23] =	ssyncset.done $0x0  }
0x34: {  	[sflag:s23] =	ssyncadd.s32 $0xFFFFD800  }
0x35: {  	[spmem:s7] =	stream.linear.scatter [tilespmem:s22], [sflag:$0x2], $0x2800, $0x38;
	[tilespmem:$0x16710] =	vst v63  }
0x36: {  	_ =	swait.ge [sflag:s23], $0x2800  }
0x37: {  	[sflag:s23] =	ssyncset.done $0x0  }
0x38: {  	[sflag:s23] =	ssyncadd.s32 $0xFFFFD800  }
0x39: {  	[spmem:s8] =	stream.linear.scatter [tilespmem:s22], [sflag:$0x2], $0x2800, $0x38;
	[tilespmem:$0x16710] =	vst v63  }
0x3a: {  	_ =	swait.ge [sflag:s23], $0x2800  }
0x3b: {  	[sflag:s23] =	ssyncset.done $0x0  }
0x3c: {  	[sflag:s23] =	ssyncadd.s32 $0xFFFFD800  }
0x3d: {  	[spmem:s9] =	stream.linear.scatter [tilespmem:s22], [sflag:$0x2], $0x2800, $0x38;
	[tilespmem:$0x16710] =	vst v63  }
0x3e: {  	_ =	swait.ge [sflag:s23], $0x2800  }
0x3f: {  	[sflag:s23] =	ssyncset.done $0x0  }
0x40: {  	[sflag:s23] =	ssyncadd.s32 $0xFFFFD800  }
0x41: {  	[spmem:s10] =	stream.linear.scatter [tilespmem:s22], [sflag:$0x2], $0x2800, $0x38;
	[tilespmem:$0x16710] =	vst v63  }
0x42: {  	_ =	swait.ge [sflag:s23], $0x2800  }
0x43: {  	[sflag:s23] =	ssyncset.done $0x0  }
0x44: {  	[sflag:s23] =	ssyncadd.s32 $0xFFFFD800  }
0x45: {  	[spmem:s11] =	stream.linear.scatter [tilespmem:s22], [sflag:$0x2], $0x2800, $0x38;
	[tilespmem:$0x16710] =	vst v63  }
0x46: {  	_ =	swait.ge [sflag:s23], $0x2800  }
0x47: {  	[sflag:s23] =	ssyncset.done $0x0  }
0x48: {  	[sflag:s23] =	ssyncadd.s32 $0xFFFFD800  }
0x49: {  	s30 =	simm.s32 $0x0;
	[bflag:$0x0] =	sbarrier.arrive $0xFFFF  }
0x4a: {  	[tilespmem:s26], [sflag:$0x1] =	stream.indirect.gather [hbm4b:s12+s25], $0x50, s30, s25, $0xb8;
	[tilespmem:$0x16710] =	vst v63  }
0x4b: {  	_ =	swait.ge [sflag:s28], $0x2710  }
0x4c: {  	[sflag:s28] =	ssyncset.done $0x0  }
0x4d: {  	s31 =	simm.s32 $0x2800;
	[sflag:s28] =	ssyncadd.s32 $0xFFFFD8F0  }
0x4e: {  	[spmem:s1] =	stream.indirect.scatter.add.f32 [tilespmem:s26], [sflag:$0x2], $0x50, s31, s25, $0xb8;
	[tilespmem:$0x16710] =	vst v63  }
0x4f: {  	_ =	swait.ge [sflag:s23], $0x2710  }
0x50: {  	s3 =	simm.s32 $0x400;
	s0 =	simm.s32 $0x200;
	[sflag:s23] =	ssyncset.done $0x0  }
.LBB2_2:
0x51: {  	s4 =	sshra.s32 s0, $0x2  }
0x52: {  	[sflag:s23] =	ssyncadd.s32 $0xFFFFD8F0;
	s0 =	smov.u32 s3;
	s5 =	sadd.s32 $0x200, s3  }
0x53: {  	[tilespmem:s26], [sflag:$0x1] =	stream.indirect.gather [hbm4b:s12+s25], $0x50, s4, s25, $0xb8;
	[tilespmem:$0x16710] =	vst v63  }
0x54: {  	p0 =	sne.s32 s3, $0x9E00;
	_ =	swait.ge [sflag:s28], $0x2710  }
.Ltmp0:
0x55: {  	[sflag:s28] =	ssyncset.done $0x0;
	(pc) =	sbr.rel @p0 .LBB2_2-.Ltmp0, $4  }
0x56: {  	s3 =	sadd.s32 $0x2800, s4;
	[sflag:s28] =	ssyncadd.s32 $0xFFFFD8F0  }
0x57: {  	[spmem:s1] =	stream.indirect.scatter.add.f32 [tilespmem:s26], [sflag:$0x2], $0x50, s3, s25, $0xb8;
	[tilespmem:$0x16710] =	vst v63  }
0x58: {  	_ =	swait.ge [sflag:s23], $0x2710  }
0x59: {  	s3 =	smov.u32 s5;
	[sflag:s23] =	ssyncset.done $0x0  }
0x5a: {  	s0 =	sshra.s32 s0, $0x2;
	[sflag:s23] =	ssyncadd.s32 $0xFFFFD8F0  }
0x5b: {  	[tilespmem:s26], [sflag:$0x1] =	stream.indirect.gather [hbm4b:s12+s25], $0x50, s0, s25, $0xb8;
	[tilespmem:$0x16710] =	vst v63  }
0x5c: {  	_ =	swait.ge [sflag:s28], $0x2710  }
0x5d: {  	[sflag:s28] =	ssyncset.done $0x0  }
0x5e: {  	s0 =	sadd.s32 $0x2800, s0;
	[sflag:s28] =	ssyncadd.s32 $0xFFFFD8F0  }
0x5f: {  	[spmem:s1] =	stream.indirect.scatter.add.f32 [tilespmem:s26], [sflag:$0x2], $0x50, s0, s25, $0xb8;
	[tilespmem:$0x16710] =	vst v63  }
0x60: {  	_ =	swait.ge [sflag:s23], $0x2710  }
0x61: {  	s19 =	stileid.u32;
	[sflag:s23] =	ssyncset.done $0x0  }
0x62: {  	s0 =	sshll.u32 s19, $0x6;
	[sflag:s23] =	ssyncadd.s32 $0xFFFFD8F0  }
0x63: {  	s31 =	sshrl.u32 s7, $0x3;
	s30 =	sor.u32 $0x1C02, s0;
	[bflag:$0x0] =	sbarrier.arrive $0xFFFF  }
0x64: {  	[hbm:s13], [sflag:s30] =	dma.local [spmem:s31], $0x500  }
0x65: {  	_ =	swait.ge [sflag:s23], $0x500  }
0x66: {  	[sflag:s23] =	ssyncset.done $0x0  }
0x67: {  	s0 =	sshrl.u32 s8, $0x3;
	[sflag:s23] =	ssyncadd.s32 $0xFFFFFB00  }
0x68: {  	[hbm:s14], [sflag:s30] =	dma.local [spmem:s0], $0x500  }
0x69: {  	_ =	swait.ge [sflag:s23], $0x500  }
0x6a: {  	[sflag:s23] =	ssyncset.done $0x0  }
0x6b: {  	s3 =	sshrl.u32 s9, $0x3;
	[sflag:s23] =	ssyncadd.s32 $0xFFFFFB00  }
0x6c: {  	[hbm:s15], [sflag:s30] =	dma.local [spmem:s3], $0x500  }
0x6d: {  	_ =	swait.ge [sflag:s23], $0x500  }
0x6e: {  	[sflag:s23] =	ssyncset.done $0x0  }
0x6f: {  	s4 =	sshrl.u32 s10, $0x3;
	[sflag:s23] =	ssyncadd.s32 $0xFFFFFB00  }
0x70: {  	[hbm:s16], [sflag:s30] =	dma.local [spmem:s4], $0x500  }
0x71: {  	_ =	swait.ge [sflag:s23], $0x500  }
0x72: {  	[sflag:s23] =	ssyncset.done $0x0  }
0x73: {  	s5 =	sshrl.u32 s11, $0x3;
	[sflag:s23] =	ssyncadd.s32 $0xFFFFFB00  }
0x74: {  	[hbm:s17], [sflag:s30] =	dma.local [spmem:s5], $0x500  }
0x75: {  	_ =	swait.ge [sflag:s23], $0x500  }
0x76: {  	[sflag:s23] =	ssyncset.done $0x0  }
0x77: {  	s6 =	simm.s32 $0x0;
	s18 =	rddreg [dreg:$0x7];
	[sflag:s23] =	ssyncadd.s32 $0xFFFFFB00  }
0x78: {  	[tilespmem:s6], [sflag:$0x2] =	stream.linear.gather [hbm4b:s18+s6], $0x2800, $0x38;
	[tilespmem:$0x16710] =	vst v63  }
0x79: {  	_ =	swait.ge [sflag:s23], $0x2800  }
0x7a: {  	[sflag:s23] =	ssyncset.done $0x0  }
0x7b: {  	s20 =	rddreg [dreg:$0x8];
	[sflag:s23] =	ssyncadd.s32 $0xFFFFD800  }
0x7c: {  	[tilespmem:s24], [sflag:$0x2] =	stream.linear.gather [hbm4b:s20+s6], $0x2800, $0x38;
	[tilespmem:$0x16710] =	vst v63  }
0x7d: {  	_ =	swait.ge [sflag:s23], $0x2800  }
0x7e: {  	[sflag:s23] =	ssyncset.done $0x0  }
0x7f: {  	[sflag:s23] =	ssyncadd.s32 $0xFFFFD800  }
0x80: {  	[spmem:s7] =	stream.linear.scatter [tilespmem:s22], [sflag:$0x2], $0x2800, $0x38;
	[tilespmem:$0x16710] =	vst v63  }
0x81: {  	_ =	swait.ge [sflag:s23], $0x2800  }
0x82: {  	[sflag:s23] =	ssyncset.done $0x0  }
0x83: {  	[sflag:s23] =	ssyncadd.s32 $0xFFFFD800  }
0x84: {  	[spmem:s8] =	stream.linear.scatter [tilespmem:s22], [sflag:$0x2], $0x2800, $0x38;
	[tilespmem:$0x16710] =	vst v63  }
0x85: {  	_ =	swait.ge [sflag:s23], $0x2800  }
0x86: {  	[sflag:s23] =	ssyncset.done $0x0  }
0x87: {  	[sflag:s23] =	ssyncadd.s32 $0xFFFFD800  }
0x88: {  	[spmem:s9] =	stream.linear.scatter [tilespmem:s22], [sflag:$0x2], $0x2800, $0x38;
	[tilespmem:$0x16710] =	vst v63  }
0x89: {  	_ =	swait.ge [sflag:s23], $0x2800  }
0x8a: {  	[sflag:s23] =	ssyncset.done $0x0  }
0x8b: {  	[sflag:s23] =	ssyncadd.s32 $0xFFFFD800  }
0x8c: {  	[spmem:s10] =	stream.linear.scatter [tilespmem:s22], [sflag:$0x2], $0x2800, $0x38;
	[tilespmem:$0x16710] =	vst v63  }
0x8d: {  	_ =	swait.ge [sflag:s23], $0x2800  }
0x8e: {  	[sflag:s23] =	ssyncset.done $0x0  }
0x8f: {  	[sflag:s23] =	ssyncadd.s32 $0xFFFFD800  }
0x90: {  	[spmem:s11] =	stream.linear.scatter [tilespmem:s22], [sflag:$0x2], $0x2800, $0x38;
	[tilespmem:$0x16710] =	vst v63  }
0x91: {  	_ =	swait.ge [sflag:s23], $0x2800  }
0x92: {  	[sflag:s23] =	ssyncset.done $0x0  }
0x93: {  	[sflag:s23] =	ssyncadd.s32 $0xFFFFD800  }
0x94: {  	s19 =	simm.s32 $0x0;
	[bflag:$0x0] =	sbarrier.arrive $0xFFFF  }
0x95: {  	[tilespmem:s26], [sflag:$0x1] =	stream.indirect.gather [hbm4b:s12+s25], $0x50, s19, s25, $0xb8;
	[tilespmem:$0x16710] =	vst v63  }
0x96: {  	_ =	swait.ge [sflag:s28], $0x2710  }
0x97: {  	[sflag:s28] =	ssyncset.done $0x0  }
0x98: {  	s20 =	simm.s32 $0x2800;
	[sflag:s28] =	ssyncadd.s32 $0xFFFFD8F0  }
0x99: {  	[spmem:s1] =	stream.indirect.scatter.add.f32 [tilespmem:s26], [sflag:$0x2], $0x50, s20, s25, $0xb8;
	[tilespmem:$0x16710] =	vst v63  }
0x9a: {  	_ =	swait.ge [sflag:s23], $0x2710  }
0x9b: {  	s18 =	simm.s32 $0x400;
	s6 =	simm.s32 $0x200;
	[sflag:s23] =	ssyncset.done $0x0  }
.LBB2_4:
0x9c: {  	s19 =	sshra.s32 s6, $0x2  }
0x9d: {  	[sflag:s23] =	ssyncadd.s32 $0xFFFFD8F0;
	s6 =	smov.u32 s18;
	s20 =	sadd.s32 $0x200, s18  }
0x9e: {  	[tilespmem:s26], [sflag:$0x1] =	stream.indirect.gather [hbm4b:s12+s25], $0x50, s19, s25, $0xb8;
	[tilespmem:$0x16710] =	vst v63  }
0x9f: {  	p0 =	sne.s32 s18, $0x9E00;
	_ =	swait.ge [sflag:s28], $0x2710  }
.Ltmp1:
0xa0: {  	[sflag:s28] =	ssyncset.done $0x0;
	(pc) =	sbr.rel @p0 .LBB2_4-.Ltmp1, $4  }
0xa1: {  	s18 =	sadd.s32 $0x2800, s19;
	[sflag:s28] =	ssyncadd.s32 $0xFFFFD8F0  }
0xa2: {  	[spmem:s1] =	stream.indirect.scatter.add.f32 [tilespmem:s26], [sflag:$0x2], $0x50, s18, s25, $0xb8;
	[tilespmem:$0x16710] =	vst v63  }
0xa3: {  	_ =	swait.ge [sflag:s23], $0x2710  }
0xa4: {  	s18 =	smov.u32 s20;
	[sflag:s23] =	ssyncset.done $0x0  }
0xa5: {  	s6 =	sshra.s32 s6, $0x2;
	[sflag:s23] =	ssyncadd.s32 $0xFFFFD8F0  }
0xa6: {  	[tilespmem:s26], [sflag:$0x1] =	stream.indirect.gather [hbm4b:s12+s25], $0x50, s6, s25, $0xb8;
	[tilespmem:$0x16710] =	vst v63  }
0xa7: {  	_ =	swait.ge [sflag:s28], $0x2710  }
0xa8: {  	[sflag:s28] =	ssyncset.done $0x0  }
0xa9: {  	s6 =	sadd.s32 $0x2800, s6;
	[sflag:s28] =	ssyncadd.s32 $0xFFFFD8F0  }
0xaa: {  	[spmem:s1] =	stream.indirect.scatter.add.f32 [tilespmem:s26], [sflag:$0x2], $0x50, s6, s25, $0xb8;
	[tilespmem:$0x16710] =	vst v63  }
0xab: {  	_ =	swait.ge [sflag:s23], $0x2710  }
0xac: {  	[sflag:s23] =	ssyncset.done $0x0  }
0xad: {  	[sflag:s23] =	ssyncadd.s32 $0xFFFFD8F0  }
0xae: {  	[bflag:$0x0] =	sbarrier.arrive $0xFFFF  }
0xaf: {  	s20 =	rddreg [dreg:$0xd]  }
0xb0: {  	[hbm:s20], [sflag:s30] =	dma.local [spmem:s31], $0x500  }
0xb1: {  	_ =	swait.ge [sflag:s23], $0x500  }
0xb2: {  	[sflag:s23] =	ssyncset.done $0x0  }
0xb3: {  	s18 =	rddreg [dreg:$0xf];
	[sflag:s23] =	ssyncadd.s32 $0xFFFFFB00  }
0xb4: {  	[hbm:s18], [sflag:s30] =	dma.local [spmem:s0], $0x500  }
0xb5: {  	_ =	swait.ge [sflag:s23], $0x500  }
0xb6: {  	[sflag:s23] =	ssyncset.done $0x0  }
0xb7: {  	s19 =	rddreg [dreg:$0x10];
	[sflag:s23] =	ssyncadd.s32 $0xFFFFFB00  }
0xb8: {  	[hbm:s19], [sflag:s30] =	dma.local [spmem:s3], $0x500  }
0xb9: {  	_ =	swait.ge [sflag:s23], $0x500  }
0xba: {  	[sflag:s23] =	ssyncset.done $0x0  }
0xbb: {  	s20 =	rddreg [dreg:$0x11];
	[sflag:s23] =	ssyncadd.s32 $0xFFFFFB00  }
0xbc: {  	[hbm:s20], [sflag:s30] =	dma.local [spmem:s4], $0x500  }
0xbd: {  	_ =	swait.ge [sflag:s23], $0x500  }
0xbe: {  	[sflag:s23] =	ssyncset.done $0x0  }
0xbf: {  	s18 =	rddreg [dreg:$0x12];
	[sflag:s23] =	ssyncadd.s32 $0xFFFFFB00  }
0xc0: {  	[hbm:s18], [sflag:s30] =	dma.local [spmem:s5], $0x500  }
0xc1: {  	_ =	swait.ge [sflag:s23], $0x500  }
0xc2: {  	[sflag:s23] =	ssyncset.done $0x0  }
0xc3: {  	s19 =	simm.s32 $0x0;
	s18 =	rddreg [dreg:$0x9];
	[sflag:s23] =	ssyncadd.s32 $0xFFFFFB00  }
0xc4: {  	[tilespmem:s19], [sflag:$0x2] =	stream.linear.gather [hbm4b:s18+s19], $0x2800, $0x38;
	[tilespmem:$0x16710] =	vst v63  }
0xc5: {  	_ =	swait.ge [sflag:s23], $0x2800  }
0xc6: {  	[sflag:s23] =	ssyncset.done $0x0  }
0xc7: {  	s20 =	rddreg [dreg:$0xa];
	[sflag:s23] =	ssyncadd.s32 $0xFFFFD800  }
0xc8: {  	[tilespmem:s24], [sflag:$0x2] =	stream.linear.gather [hbm4b:s20+s19], $0x2800, $0x38;
	[tilespmem:$0x16710] =	vst v63  }
0xc9: {  	_ =	swait.ge [sflag:s23], $0x2800  }
0xca: {  	[sflag:s23] =	ssyncset.done $0x0  }
0xcb: {  	[sflag:s23] =	ssyncadd.s32 $0xFFFFD800  }
0xcc: {  	[spmem:s7] =	stream.linear.scatter [tilespmem:s22], [sflag:$0x2], $0x2800, $0x38;
	[tilespmem:$0x16710] =	vst v63  }
0xcd: {  	_ =	swait.ge [sflag:s23], $0x2800  }
0xce: {  	[sflag:s23] =	ssyncset.done $0x0  }
0xcf: {  	[sflag:s23] =	ssyncadd.s32 $0xFFFFD800  }
0xd0: {  	[spmem:s8] =	stream.linear.scatter [tilespmem:s22], [sflag:$0x2], $0x2800, $0x38;
	[tilespmem:$0x16710] =	vst v63  }
0xd1: {  	_ =	swait.ge [sflag:s23], $0x2800  }
0xd2: {  	[sflag:s23] =	ssyncset.done $0x0  }
0xd3: {  	[sflag:s23] =	ssyncadd.s32 $0xFFFFD800  }
0xd4: {  	[spmem:s9] =	stream.linear.scatter [tilespmem:s22], [sflag:$0x2], $0x2800, $0x38;
	[tilespmem:$0x16710] =	vst v63  }
0xd5: {  	_ =	swait.ge [sflag:s23], $0x2800  }
0xd6: {  	[sflag:s23] =	ssyncset.done $0x0  }
0xd7: {  	[sflag:s23] =	ssyncadd.s32 $0xFFFFD800  }
0xd8: {  	[spmem:s10] =	stream.linear.scatter [tilespmem:s22], [sflag:$0x2], $0x2800, $0x38;
	[tilespmem:$0x16710] =	vst v63  }
0xd9: {  	_ =	swait.ge [sflag:s23], $0x2800  }
0xda: {  	[sflag:s23] =	ssyncset.done $0x0  }
0xdb: {  	[sflag:s23] =	ssyncadd.s32 $0xFFFFD800  }
0xdc: {  	[spmem:s11] =	stream.linear.scatter [tilespmem:s22], [sflag:$0x2], $0x2800, $0x38;
	[tilespmem:$0x16710] =	vst v63  }
0xdd: {  	_ =	swait.ge [sflag:s23], $0x2800  }
0xde: {  	[sflag:s23] =	ssyncset.done $0x0  }
0xdf: {  	[sflag:s23] =	ssyncadd.s32 $0xFFFFD800  }
0xe0: {  	s19 =	simm.s32 $0x0;
	[bflag:$0x0] =	sbarrier.arrive $0xFFFF  }
0xe1: {  	[tilespmem:s26], [sflag:$0x1] =	stream.indirect.gather [hbm4b:s12+s25], $0x50, s19, s25, $0xb8;
	[tilespmem:$0x16710] =	vst v63  }
0xe2: {  	_ =	swait.ge [sflag:s28], $0x2710  }
0xe3: {  	[sflag:s28] =	ssyncset.done $0x0  }
0xe4: {  	s20 =	simm.s32 $0x2800;
	[sflag:s28] =	ssyncadd.s32 $0xFFFFD8F0  }
0xe5: {  	[spmem:s1] =	stream.indirect.scatter.add.f32 [tilespmem:s26], [sflag:$0x2], $0x50, s20, s25, $0xb8;
	[tilespmem:$0x16710] =	vst v63  }
0xe6: {  	_ =	swait.ge [sflag:s23], $0x2710  }
0xe7: {  	s6 =	simm.s32 $0x200;
	s18 =	simm.s32 $0x400;
	[sflag:s23] =	ssyncset.done $0x0  }
.LBB2_6:
0xe8: {  	s19 =	sshra.s32 s6, $0x2  }
0xe9: {  	[sflag:s23] =	ssyncadd.s32 $0xFFFFD8F0;
	s6 =	smov.u32 s18;
	s20 =	sadd.s32 $0x200, s18  }
0xea: {  	[tilespmem:s26], [sflag:$0x1] =	stream.indirect.gather [hbm4b:s12+s25], $0x50, s19, s25, $0xb8;
	[tilespmem:$0x16710] =	vst v63  }
0xeb: {  	p0 =	sne.s32 s18, $0x9E00;
	_ =	swait.ge [sflag:s28], $0x2710  }
.Ltmp2:
0xec: {  	[sflag:s28] =	ssyncset.done $0x0;
	(pc) =	sbr.rel @p0 .LBB2_6-.Ltmp2, $4  }
0xed: {  	s18 =	sadd.s32 $0x2800, s19;
	[sflag:s28] =	ssyncadd.s32 $0xFFFFD8F0  }
0xee: {  	[spmem:s1] =	stream.indirect.scatter.add.f32 [tilespmem:s26], [sflag:$0x2], $0x50, s18, s25, $0xb8;
	[tilespmem:$0x16710] =	vst v63  }
0xef: {  	_ =	swait.ge [sflag:s23], $0x2710  }
0xf0: {  	s18 =	smov.u32 s20;
	[sflag:s23] =	ssyncset.done $0x0  }
0xf1: {  	s6 =	sshra.s32 s6, $0x2;
	[sflag:s23] =	ssyncadd.s32 $0xFFFFD8F0  }
0xf2: {  	[tilespmem:s26], [sflag:$0x1] =	stream.indirect.gather [hbm4b:s12+s25], $0x50, s6, s25, $0xb8;
	[tilespmem:$0x16710] =	vst v63  }
0xf3: {  	_ =	swait.ge [sflag:s28], $0x2710  }
0xf4: {  	[sflag:s28] =	ssyncset.done $0x0  }
0xf5: {  	s6 =	sadd.s32 $0x2800, s6;
	[sflag:s28] =	ssyncadd.s32 $0xFFFFD8F0  }
0xf6: {  	[spmem:s1] =	stream.indirect.scatter.add.f32 [tilespmem:s26], [sflag:$0x2], $0x50, s6, s25, $0xb8;
	[tilespmem:$0x16710] =	vst v63  }
0xf7: {  	_ =	swait.ge [sflag:s23], $0x2710  }
0xf8: {  	[sflag:s23] =	ssyncset.done $0x0  }
0xf9: {  	[sflag:s23] =	ssyncadd.s32 $0xFFFFD8F0  }
0xfa: {  	[bflag:$0x0] =	sbarrier.arrive $0xFFFF  }
0xfb: {  	s20 =	rddreg [dreg:$0x13]  }
0xfc: {  	[hbm:s20], [sflag:s30] =	dma.local [spmem:s31], $0x500  }
0xfd: {  	_ =	swait.ge [sflag:s23], $0x500  }
0xfe: {  	[sflag:s23] =	ssyncset.done $0x0  }
0xff: {  	s18 =	rddreg [dreg:$0x14];
	[sflag:s23] =	ssyncadd.s32 $0xFFFFFB00  }
0x100: {  	[hbm:s18], [sflag:s30] =	dma.local [spmem:s0], $0x500  }
0x101: {  	_ =	swait.ge [sflag:s23], $0x500  }
0x102: {  	[sflag:s23] =	ssyncset.done $0x0  }
0x103: {  	s19 =	rddreg [dreg:$0x15];
	[sflag:s23] =	ssyncadd.s32 $0xFFFFFB00  }
0x104: {  	[hbm:s19], [sflag:s30] =	dma.local [spmem:s3], $0x500  }
0x105: {  	_ =	swait.ge [sflag:s23], $0x500  }
0x106: {  	[sflag:s23] =	ssyncset.done $0x0  }
0x107: {  	s20 =	rddreg [dreg:$0x16];
	[sflag:s23] =	ssyncadd.s32 $0xFFFFFB00  }
0x108: {  	[hbm:s20], [sflag:s30] =	dma.local [spmem:s4], $0x500  }
0x109: {  	_ =	swait.ge [sflag:s23], $0x500  }
0x10a: {  	[sflag:s23] =	ssyncset.done $0x0  }
0x10b: {  	s18 =	rddreg [dreg:$0x17];
	[sflag:s23] =	ssyncadd.s32 $0xFFFFFB00  }
0x10c: {  	[hbm:s18], [sflag:s30] =	dma.local [spmem:s5], $0x500  }
0x10d: {  	_ =	swait.ge [sflag:s23], $0x500  }
0x10e: {  	[sflag:s23] =	ssyncset.done $0x0  }
0x10f: {  	s19 =	simm.s32 $0x0;
	s18 =	rddreg [dreg:$0xb];
	[sflag:s23] =	ssyncadd.s32 $0xFFFFFB00  }
0x110: {  	[tilespmem:s19], [sflag:$0x2] =	stream.linear.gather [hbm4b:s18+s19], $0x2800, $0x38;
	[tilespmem:$0x16710] =	vst v63  }
0x111: {  	_ =	swait.ge [sflag:s23], $0x2800  }
0x112: {  	[sflag:s23] =	ssyncset.done $0x0  }
0x113: {  	s20 =	rddreg [dreg:$0xc];
	[sflag:s23] =	ssyncadd.s32 $0xFFFFD800  }
0x114: {  	[tilespmem:s24], [sflag:$0x2] =	stream.linear.gather [hbm4b:s20+s19], $0x2800, $0x38;
	[tilespmem:$0x16710] =	vst v63  }
0x115: {  	_ =	swait.ge [sflag:s23], $0x2800  }
0x116: {  	[sflag:s23] =	ssyncset.done $0x0  }
0x117: {  	[sflag:s23] =	ssyncadd.s32 $0xFFFFD800  }
0x118: {  	[spmem:s7] =	stream.linear.scatter [tilespmem:s22], [sflag:$0x2], $0x2800, $0x38;
	[tilespmem:$0x16710] =	vst v63  }
0x119: {  	_ =	swait.ge [sflag:s23], $0x2800  }
0x11a: {  	[sflag:s23] =	ssyncset.done $0x0  }
0x11b: {  	[sflag:s23] =	ssyncadd.s32 $0xFFFFD800  }
0x11c: {  	[spmem:s8] =	stream.linear.scatter [tilespmem:s22], [sflag:$0x2], $0x2800, $0x38;
	[tilespmem:$0x16710] =	vst v63  }
0x11d: {  	_ =	swait.ge [sflag:s23], $0x2800  }
0x11e: {  	[sflag:s23] =	ssyncset.done $0x0  }
0x11f: {  	[sflag:s23] =	ssyncadd.s32 $0xFFFFD800  }
0x120: {  	[spmem:s9] =	stream.linear.scatter [tilespmem:s22], [sflag:$0x2], $0x2800, $0x38;
	[tilespmem:$0x16710] =	vst v63  }
0x121: {  	_ =	swait.ge [sflag:s23], $0x2800  }
0x122: {  	[sflag:s23] =	ssyncset.done $0x0  }
0x123: {  	[sflag:s23] =	ssyncadd.s32 $0xFFFFD800  }
0x124: {  	[spmem:s10] =	stream.linear.scatter [tilespmem:s22], [sflag:$0x2], $0x2800, $0x38;
	[tilespmem:$0x16710] =	vst v63  }
0x125: {  	_ =	swait.ge [sflag:s23], $0x2800  }
0x126: {  	[sflag:s23] =	ssyncset.done $0x0  }
0x127: {  	[sflag:s23] =	ssyncadd.s32 $0xFFFFD800  }
0x128: {  	[spmem:s11] =	stream.linear.scatter [tilespmem:s22], [sflag:$0x2], $0x2800, $0x38;
	[tilespmem:$0x16710] =	vst v63  }
0x129: {  	_ =	swait.ge [sflag:s23], $0x2800  }
0x12a: {  	[sflag:s23] =	ssyncset.done $0x0  }
0x12b: {  	[sflag:s23] =	ssyncadd.s32 $0xFFFFD800  }
0x12c: {  	s19 =	simm.s32 $0x0;
	[bflag:$0x0] =	sbarrier.arrive $0xFFFF  }
0x12d: {  	[tilespmem:s26], [sflag:$0x1] =	stream.indirect.gather [hbm4b:s12+s25], $0x50, s19, s25, $0xb8;
	[tilespmem:$0x16710] =	vst v63  }
0x12e: {  	_ =	swait.ge [sflag:s28], $0x2710  }
0x12f: {  	[sflag:s28] =	ssyncset.done $0x0  }
0x130: {  	s20 =	simm.s32 $0x2800;
	[sflag:s28] =	ssyncadd.s32 $0xFFFFD8F0  }
0x131: {  	[spmem:s1] =	stream.indirect.scatter.add.f32 [tilespmem:s26], [sflag:$0x2], $0x50, s20, s25, $0xb8;
	[tilespmem:$0x16710] =	vst v63  }
0x132: {  	_ =	swait.ge [sflag:s23], $0x2710  }
0x133: {  	s6 =	simm.s32 $0x200;
	s18 =	simm.s32 $0x400;
	[sflag:s23] =	ssyncset.done $0x0  }
.LBB2_8:
0x134: {  	s19 =	sshra.s32 s6, $0x2  }
0x135: {  	[sflag:s23] =	ssyncadd.s32 $0xFFFFD8F0;
	s6 =	smov.u32 s18;
	s20 =	sadd.s32 $0x200, s18  }
0x136: {  	[tilespmem:s26], [sflag:$0x1] =	stream.indirect.gather [hbm4b:s12+s25], $0x50, s19, s25, $0xb8;
	[tilespmem:$0x16710] =	vst v63  }
0x137: {  	p0 =	sne.s32 s18, $0x9E00;
	_ =	swait.ge [sflag:s28], $0x2710  }
.Ltmp3:
0x138: {  	[sflag:s28] =	ssyncset.done $0x0;
	(pc) =	sbr.rel @p0 .LBB2_8-.Ltmp3, $4  }
0x139: {  	s18 =	sadd.s32 $0x2800, s19;
	[sflag:s28] =	ssyncadd.s32 $0xFFFFD8F0  }
0x13a: {  	[spmem:s1] =	stream.indirect.scatter.add.f32 [tilespmem:s26], [sflag:$0x2], $0x50, s18, s25, $0xb8;
	[tilespmem:$0x16710] =	vst v63  }
0x13b: {  	_ =	swait.ge [sflag:s23], $0x2710  }
0x13c: {  	s18 =	smov.u32 s20;
	[sflag:s23] =	ssyncset.done $0x0  }
0x13d: {  	s6 =	sshra.s32 s6, $0x2;
	[sflag:s23] =	ssyncadd.s32 $0xFFFFD8F0  }
0x13e: {  	[tilespmem:s26], [sflag:$0x1] =	stream.indirect.gather [hbm4b:s12+s25], $0x50, s6, s25, $0xb8;
	[tilespmem:$0x16710] =	vst v63  }
0x13f: {  	_ =	swait.ge [sflag:s28], $0x2710  }
0x140: {  	[sflag:s28] =	ssyncset.done $0x0  }
0x141: {  	s6 =	sadd.s32 $0x2800, s6;
	[sflag:s28] =	ssyncadd.s32 $0xFFFFD8F0  }
0x142: {  	[spmem:s1] =	stream.indirect.scatter.add.f32 [tilespmem:s26], [sflag:$0x2], $0x50, s6, s25, $0xb8;
	[tilespmem:$0x16710] =	vst v63  }
0x143: {  	_ =	swait.ge [sflag:s23], $0x2710  }
0x144: {  	[sflag:s23] =	ssyncset.done $0x0  }
0x145: {  	[sflag:s23] =	ssyncadd.s32 $0xFFFFD8F0  }
0x146: {  	[bflag:$0x0] =	sbarrier.arrive $0xFFFF  }
0x147: {  	s20 =	rddreg [dreg:$0x18]  }
0x148: {  	[hbm:s20], [sflag:s30] =	dma.local [spmem:s31], $0x500  }
0x149: {  	_ =	swait.ge [sflag:s23], $0x500  }
0x14a: {  	[sflag:s23] =	ssyncset.done $0x0  }
0x14b: {  	s18 =	rddreg [dreg:$0x19];
	[sflag:s23] =	ssyncadd.s32 $0xFFFFFB00  }
0x14c: {  	[hbm:s18], [sflag:s30] =	dma.local [spmem:s0], $0x500  }
0x14d: {  	_ =	swait.ge [sflag:s23], $0x500  }
0x14e: {  	[sflag:s23] =	ssyncset.done $0x0  }
0x14f: {  	s19 =	rddreg [dreg:$0x1a];
	[sflag:s23] =	ssyncadd.s32 $0xFFFFFB00  }
0x150: {  	[hbm:s19], [sflag:s30] =	dma.local [spmem:s3], $0x500  }
0x151: {  	_ =	swait.ge [sflag:s23], $0x500  }
0x152: {  	[sflag:s23] =	ssyncset.done $0x0  }
0x153: {  	s20 =	rddreg [dreg:$0x1b];
	[sflag:s23] =	ssyncadd.s32 $0xFFFFFB00  }
0x154: {  	[hbm:s20], [sflag:s30] =	dma.local [spmem:s4], $0x500  }
0x155: {  	_ =	swait.ge [sflag:s23], $0x500  }
0x156: {  	[sflag:s23] =	ssyncset.done $0x0  }
0x157: {  	[sflag:s23] =	ssyncadd.s32 $0xFFFFFB00  }
0x158: {  	[hbm:s21], [sflag:s30] =	dma.local [spmem:s5], $0x500  }
0x159: {  	_ =	swait.ge [sflag:s23], $0x500  }
0x15a: {  	s29 =	sadd.s32 $0x1, s29;
	s31 =	rddreg [dreg:$0xe]  }
0x15b: {  	p0 =	sne.s32 s29, s31  }
.Ltmp4:
0x15c: {  	_ = 	snop;
	(pc) =	sbr.rel @p0 .LBB2_1-.Ltmp4, $3  }
0x15d: {  	_ =	sdelay $0x1  }
0x15e: {  	[sflag:s23] =	ssyncset.done $0x0  }
0x15f: {  	[sflag:s23] =	ssyncadd.s32 $0xFFFFFB00  }
0x160: {  	_ =	sfence.sel $0x180000  }
0x161: {  	[bflag:$0x0] =	sbarrier.arrive $0xFFFF  }
0x162: {  	_ =	strace $0x90000047  }
0x163: {  	s0 =	stileid.u32;
	[bflag:$0x2] =	sbarrier.arrive $0xFFFF  }
0x164: {  	p0 =	sne.s32 s0, $0x0;
	s0 =	rddreg [dreg:$0x3]  }
0x165: {  	s0 =	sadd.s32 @!p0 $0x100000, s0  }
0x166: {  	[sflag:s0] =	ssyncadd.tile.s32 @!p0 $0x1;
	_ =	shalt  }
.Lfunc_end2:
_tile_overlayer_lowered:
.L_overlay_start_2:
0x167: {  	(tag) =	ssettag $0x2  }
0x168: {  	s0 =	rddreg [dreg:$0x0];
	s2 =	stileid.u32  }
0x169: {  	s1 =	rddreg [dreg:$0x1];
	p0 =	sne.s32 s2, $0x0  }
0x16a: {  	s3 =	rddreg [dreg:$0x2];
	[bflag:$0x3] =	sbarrier.arrive $0xFFFF;
	s2 =	simm.s32 @!p0 $0x1C02  }
0x16b: {  	[timem:s3], [sflag:s2] =	dma.local @!p0 [hbm:s0], s1  }
0x16c: {  	s0 =	simm.s32 @!p0 $0x2  }
0x16d: {  	_ =	swait.ge @!p0 [sflag:s0], s1  }
0x16e: {  	s1 =	ssub.s32 @!p0 $0x0, s1;
	[sflag:s0] =	ssyncset.done @!p0 $0x0  }
0x16f: {  	[sflag:s0] =	ssyncadd.s32 @!p0 s1  }
0x170: {  	[bflag:$0x3] =	sbarrier.arrive $0xFFFF  }
0x171: {  	_ =	shalt  }

</sc_bundles>
